<compile_context>
chip_gen: v7x
topology: tpu7x:2x2x1
jax: 0.10.2.dev20260603
libtpu: 0.0.44.dev20260713+nightly
codegen_flags: <defaults>
</compile_context>

<pallas_src>
import functools

import jax
import jax.numpy as jnp
from jax import lax
from jax.experimental import pallas as pl
from jax.experimental.pallas import tpu as pltpu
from jax.experimental.pallas import tpu_sc as plsc

N = 10000
E = 320000
H = 128
G = 64

NC = 2
NS = 16
NW = NC * NS
EPW = E // NW
CH = 80
NCHUNK = EPW // CH
NPT = 624
NTAIL = N - NPT * NS

BN = 2000
GRID = N // BN


def _agg_body(h_hbm, srcs_hbm, dsts_hbm, out_hbm,
              src_v, rows_v, dst_v, agg_sh, sem):
    c = lax.axis_index("c")
    s = lax.axis_index("s")
    row0 = s * NPT

    pltpu.sync_copy(h_hbm.at[pl.ds(row0, NPT)], agg_sh.at[pl.ds(row0, NPT)])

    @pl.when(s == NS - 1)
    def _():
        pltpu.sync_copy(h_hbm.at[pl.ds(NPT * NS, NTAIL)],
                        agg_sh.at[pl.ds(NPT * NS, NTAIL)])

    plsc.subcore_barrier()

    ebase = (c * NS + s) * EPW

    def chunk(k, carry):
        base = ebase + k * CH
        pltpu.sync_copy(srcs_hbm.at[pl.ds(base, CH)], src_v)
        pltpu.async_copy(h_hbm.at[src_v], rows_v, sem).wait()
        pltpu.sync_copy(dsts_hbm.at[pl.ds(base, CH)], dst_v)
        pltpu.sync_copy(rows_v, agg_sh.at[dst_v], add=True)
        return carry

    lax.fori_loop(0, NCHUNK, chunk, 0)

    plsc.subcore_barrier()

    pltpu.sync_copy(agg_sh.at[pl.ds(row0, NPT)],
                    out_hbm.at[pl.ds(c * N + row0, NPT)])

    @pl.when(s == NS - 1)
    def _():
        pltpu.sync_copy(agg_sh.at[pl.ds(NPT * NS, NTAIL)],
                        out_hbm.at[pl.ds(c * N + NPT * NS, NTAIL)])


@functools.cache
def _get_agg_call():
    return pl.kernel(
        _agg_body,
        out_type=jax.ShapeDtypeStruct((2 * N, H), jnp.float32),
        mesh=plsc.VectorSubcoreMesh(core_axis_name="c", subcore_axis_name="s",
                                    num_cores=NC, num_subcores=NS),
        scratch_types=[
            pltpu.VMEM((CH,), jnp.int32),
            pltpu.VMEM((CH, H), jnp.float32),
            pltpu.VMEM((CH,), jnp.int32),
            pltpu.VMEM_SHARED((N, H), jnp.float32),
            pltpu.SemaphoreType.DMA,
        ],
        name="gin_edge_agg_sc",
    )


def _agg_call(h, src_s, dst_s):
    return _get_agg_call()(h, src_s, dst_s)


def _mlp_body(a0, a1, h, w1, b1, w2, b2, o):
    z = a0[...] + a1[...] - h[...]
    z = lax.dot(z, w1[...], preferred_element_type=jnp.float32) + b1[...]
    z = jnp.maximum(z, 0.0)
    z = lax.dot(z, w2[...], preferred_element_type=jnp.float32) + b2[...]
    o[...] = jnp.maximum(z, 0.0)


def _tc_mlp(agg2, h, w1, b1, w2, b2):
    return pl.pallas_call(
        _mlp_body,
        grid=(GRID,),
        in_specs=[
            pl.BlockSpec((BN, H), lambda i: (i, 0)),
            pl.BlockSpec((BN, H), lambda i: (i + GRID, 0)),
            pl.BlockSpec((BN, H), lambda i: (i, 0)),
            pl.BlockSpec((H, H), lambda i: (0, 0)),
            pl.BlockSpec((1, H), lambda i: (0, 0)),
            pl.BlockSpec((H, H), lambda i: (0, 0)),
            pl.BlockSpec((1, H), lambda i: (0, 0)),
        ],
        out_specs=pl.BlockSpec((BN, H), lambda i: (i, 0)),
        out_shape=jax.ShapeDtypeStruct((N, H), jnp.float32),
        name="gin_mlp_tc",
    )(agg2, agg2, h, w1, b1, w2, b2)


def _mlp_pool_body(a0, a1, h, w1, b1, w2, b2, bt, hw, hb, o, sums, cnts):
    i = pl.program_id(0)

    z = a0[...] + a1[...] - h[...]
    z = lax.dot(z, w1[...], preferred_element_type=jnp.float32) + b1[...]
    z = jnp.maximum(z, 0.0)
    z = lax.dot(z, w2[...], preferred_element_type=jnp.float32) + b2[...]
    z = jnp.maximum(z, 0.0)

    @pl.when(i == 0)
    def _():
        sums[...] = jnp.zeros_like(sums)
        cnts[...] = jnp.zeros_like(cnts)

    onehot = (bt[...] == lax.broadcasted_iota(jnp.int32, (1, G), 1))
    onehot = onehot.astype(jnp.float32)
    sums[...] += lax.dot_general(onehot, z, (((0,), (0,)), ((), ())),
                                 precision=lax.Precision.HIGHEST,
                                 preferred_element_type=jnp.float32)
    ones = jnp.ones((BN, 1), jnp.float32)
    cnts[...] += lax.dot_general(onehot, ones, (((0,), (0,)), ((), ())),
                                 precision=lax.Precision.HIGHEST,
                                 preferred_element_type=jnp.float32)

    @pl.when(i == GRID - 1)
    def _():
        pooled = sums[...] / jnp.maximum(cnts[...], 1.0)
        o[...] = lax.dot(pooled, hw[...],
                         preferred_element_type=jnp.float32) + hb[...]


def _tc_mlp_pool(agg2, h, w1, b1, w2, b2, batch2d, head_w, head_b2d):
    return pl.pallas_call(
        _mlp_pool_body,
        grid=(GRID,),
        in_specs=[
            pl.BlockSpec((BN, H), lambda i: (i, 0)),
            pl.BlockSpec((BN, H), lambda i: (i + GRID, 0)),
            pl.BlockSpec((BN, H), lambda i: (i, 0)),
            pl.BlockSpec((H, H), lambda i: (0, 0)),
            pl.BlockSpec((1, H), lambda i: (0, 0)),
            pl.BlockSpec((H, H), lambda i: (0, 0)),
            pl.BlockSpec((1, H), lambda i: (0, 0)),
            pl.BlockSpec((BN, 1), lambda i: (i, 0)),
            pl.BlockSpec((H, 1), lambda i: (0, 0)),
            pl.BlockSpec((1, 1), lambda i: (0, 0)),
        ],
        out_specs=pl.BlockSpec((G, 1), lambda i: (0, 0)),
        out_shape=jax.ShapeDtypeStruct((G, 1), jnp.float32),
        scratch_shapes=[
            pltpu.VMEM((G, H), jnp.float32),
            pltpu.VMEM((G, 1), jnp.float32),
        ],
        name="gin_mlp_pool_tc",
    )(agg2, agg2, h, w1, b1, w2, b2, batch2d, head_w, head_b2d)


def kernel(x, edge_index, batch, params):
    src = edge_index[0]
    dst = edge_index[1]

    src_s = src
    dst_s = dst

    h = x
    layers = params["layers"]
    for (w1, b1, w2, b2) in layers[:-1]:
        agg2 = _agg_call(h, src_s, dst_s)
        h = _tc_mlp(agg2, h, w1, b1.reshape(1, H), w2, b2.reshape(1, H))
    (w1, b1, w2, b2) = layers[-1]
    agg2 = _agg_call(h, src_s, dst_s)
    return _tc_mlp_pool(agg2, h, w1, b1.reshape(1, H), w2, b2.reshape(1, H),
                        batch.reshape(N, 1), params["head_W"],
                        params["head_b"].reshape(1, 1))

# --- scband reference (transcript-rebuilt; emitter-appended) ---
"""Pipeline reference for scband-gin-21191368639148 (READ-ONLY COPY).

The authoritative reference and input builder live on the scoring server;
editing this copy changes nothing except your own understanding.
"""

import jax, jax.numpy as jnp
import numpy as np

N = 10000   # nodes
E = 320000  # edges
D = 128     # in_dim
H = 128     # hidden_dim
G = 64      # number of graphs in the batch
L = 5       # num_layers


def _init_params(key):
    params = {"layers": []}
    for l in range(L):
        d_in = D if l == 0 else H
        k1, k2, key = jax.random.split(key, 3)
        W1 = jax.random.normal(k1, (d_in, H), dtype=jnp.float32) * (1.0 / np.sqrt(d_in))
        b1 = jnp.zeros((H,), dtype=jnp.float32)
        W2 = jax.random.normal(k2, (H, H), dtype=jnp.float32) * (1.0 / np.sqrt(H))
        b2 = jnp.zeros((H,), dtype=jnp.float32)
        params["layers"].append((W1, b1, W2, b2))
    kh, key = jax.random.split(key)
    params["head_W"] = jax.random.normal(kh, (H, 1), dtype=jnp.float32) * (1.0 / np.sqrt(H))
    params["head_b"] = jnp.zeros((1,), dtype=jnp.float32)
    return params


def setup_inputs(seed: int = 0) -> dict:
    key = jax.random.key(seed)
    kx, ke, kb, kp = jax.random.split(key, 4)
    x = jax.random.normal(kx, (N, D), dtype=jnp.float32)
    edge_index = jax.random.randint(ke, (2, E), 0, N, dtype=jnp.int32)
    batch = jnp.sort(jax.random.randint(kb, (N,), 0, G, dtype=jnp.int32))
    params = _init_params(kp)
    return {"x": x, "edge_index": edge_index, "batch": batch, "params": params}


def _forward(x, params, edge_index, batch):
    src = edge_index[0]
    dst = edge_index[1]
    h = x
    for (W1, b1, W2, b2) in params["layers"]:
        # GINConv (eps=0): h_i' = MLP((1+eps)*h_i + sum_{j->i} h_j)
        agg = jax.ops.segment_sum(h[src], dst, num_segments=N)
        z = h + agg
        z = jnp.maximum(z @ W1 + b1, 0.0)  # Linear + ReLU inside MLP
        z = z @ W2 + b2                     # second Linear
        h = jnp.maximum(z, 0.0)             # outer ReLU; dropout identity (eval)
    sums = jax.ops.segment_sum(h, batch, num_segments=G)
    counts = jax.ops.segment_sum(jnp.ones((N, 1), dtype=h.dtype), batch, num_segments=G)
    pooled = sums / jnp.maximum(counts, 1.0)  # global_mean_pool
    return pooled @ params["head_W"] + params["head_b"]


def reference(x, edge_index, batch, params):
    return _forward(x, params, edge_index, batch)

if __name__ == "__main__":
    import jax
    _d = setup_inputs()
    print(jax.jit(kernel)(*tuple(_d.values())))

</pallas_src>

<mosaic_0001>
#map = affine_map<(d0, d1) -> (0, 0)>
#map1 = affine_map<(d0, d1) -> (0)>
module attributes {stable_mosaic.version = 14 : i64} {
  func.func @gin_edge_agg_sc(%arg0: i32, %arg1: i32, %arg2: memref<10000x128xf32, #tpu.memory_space<hbm>>, %arg3: memref<320000xi32, #tpu.memory_space<hbm>>, %arg4: memref<320000xi32, #tpu.memory_space<hbm>>, %arg5: memref<20000x128xf32, #tpu.memory_space<hbm>>, %arg6: memref<80xi32, #tpu.memory_space<vmem>>, %arg7: memref<80x128xf32, #tpu.memory_space<vmem>>, %arg8: memref<80xi32, #tpu.memory_space<vmem>>, %arg9: memref<10000x128xf32, #tpu.memory_space<vmem_shared>>, %arg10: memref<!tpu.dma_semaphore, #tpu.memory_space<semaphore_mem>>) attributes {dimension_semantics = [#tpu.dimension_semantics<core_parallel>, #tpu.dimension_semantics<subcore_parallel>], iteration_bounds = array<i64: 2, 16>, scalar_prefetch = 0 : i64, scratch_operands = 5 : i64, tpu.core_type = #tpu.core_type<sc_vector_subcore>, window_params = [{transform_indices = #map}, {transform_indices = #map1}, {transform_indices = #map1}, {transform_indices = #map}]} {
    %mul3A = arith.constant 624 : i32
    %mul3A_0 = arith.muli %arg1, %mul3A : i32
    "tpu.region"() ({
      %run_scoped3A = tpu.sem_alloc : memref<!tpu.dma_semaphore, #tpu.memory_space<semaphore_mem>>
      %dma_start3A = arith.constant 0 : i32
      %dma_start3A_21 = tpu.memref_slice %arg9[%mul3A_0, %dma_start3A] : memref<10000x128xf32, #tpu.memory_space<vmem_shared>> -> memref<624x128xf32, #tpu.memory_space<vmem_shared>>
      %dma_start3A_22 = arith.constant 0 : i32
      %dma_start3A_23 = tpu.memref_slice %arg2[%mul3A_0, %dma_start3A_22] : memref<10000x128xf32, #tpu.memory_space<hbm>> -> memref<624x128xf32, #tpu.memory_space<hbm>>
      tpu.enqueue_dma source(%dma_start3A_23 : memref<624x128xf32, #tpu.memory_space<hbm>>) target(%dma_start3A_21 : memref<624x128xf32, #tpu.memory_space<vmem_shared>>) target_semaphore(%run_scoped3A : memref<!tpu.dma_semaphore, #tpu.memory_space<semaphore_mem>>)
      %dma_wait3A = arith.constant 0 : i32
      %dma_wait3A_24 = tpu.memref_slice %arg9[%mul3A_0, %dma_wait3A] : memref<10000x128xf32, #tpu.memory_space<vmem_shared>> -> memref<624x128xf32, #tpu.memory_space<vmem_shared>>
      %dma_wait3A_25 = arith.constant 0 : i32
      %dma_wait3A_26 = tpu.memref_slice %arg2[%mul3A_0, %dma_wait3A_25] : memref<10000x128xf32, #tpu.memory_space<hbm>> -> memref<624x128xf32, #tpu.memory_space<hbm>>
      tpu.wait_dma2 semaphore(%run_scoped3A : memref<!tpu.dma_semaphore, #tpu.memory_space<semaphore_mem>>) src(%dma_wait3A_26 : memref<624x128xf32, #tpu.memory_space<hbm>>) dst(%dma_wait3A_24 : memref<624x128xf32, #tpu.memory_space<vmem_shared>>)
      tpu.yield
    }) : () -> ()
    %eq3A = arith.constant 15 : i32
    %eq3A_1 = arith.cmpi eq, %arg1, %eq3A : i32
    %convert_element_type3A = arith.extui %eq3A_1 : i1 to i32
    %cond3A = arith.constant 0 : i32
    %cond3A_2 = arith.cmpi ne, %convert_element_type3A, %cond3A : i32
    scf.if %cond3A_2 {
      "tpu.region"() ({
        %run_scoped3A = tpu.sem_alloc : memref<!tpu.dma_semaphore, #tpu.memory_space<semaphore_mem>>
        %dma_start3A = arith.constant 9984 : i32
        %dma_start3A_21 = arith.constant 0 : i32
        %dma_start3A_22 = tpu.memref_slice %arg9[%dma_start3A, %dma_start3A_21] : memref<10000x128xf32, #tpu.memory_space<vmem_shared>> -> memref<16x128xf32, #tpu.memory_space<vmem_shared>>
        %dma_start3A_23 = arith.constant 9984 : i32
        %dma_start3A_24 = arith.constant 0 : i32
        %dma_start3A_25 = tpu.memref_slice %arg2[%dma_start3A_23, %dma_start3A_24] : memref<10000x128xf32, #tpu.memory_space<hbm>> -> memref<16x128xf32, #tpu.memory_space<hbm>>
        tpu.enqueue_dma source(%dma_start3A_25 : memref<16x128xf32, #tpu.memory_space<hbm>>) target(%dma_start3A_22 : memref<16x128xf32, #tpu.memory_space<vmem_shared>>) target_semaphore(%run_scoped3A : memref<!tpu.dma_semaphore, #tpu.memory_space<semaphore_mem>>)
        %dma_wait3A = arith.constant 9984 : i32
        %dma_wait3A_26 = arith.constant 0 : i32
        %dma_wait3A_27 = tpu.memref_slice %arg9[%dma_wait3A, %dma_wait3A_26] : memref<10000x128xf32, #tpu.memory_space<vmem_shared>> -> memref<16x128xf32, #tpu.memory_space<vmem_shared>>
        %dma_wait3A_28 = arith.constant 9984 : i32
        %dma_wait3A_29 = arith.constant 0 : i32
        %dma_wait3A_30 = tpu.memref_slice %arg2[%dma_wait3A_28, %dma_wait3A_29] : memref<10000x128xf32, #tpu.memory_space<hbm>> -> memref<16x128xf32, #tpu.memory_space<hbm>>
        tpu.wait_dma2 semaphore(%run_scoped3A : memref<!tpu.dma_semaphore, #tpu.memory_space<semaphore_mem>>) src(%dma_wait3A_30 : memref<16x128xf32, #tpu.memory_space<hbm>>) dst(%dma_wait3A_27 : memref<16x128xf32, #tpu.memory_space<vmem_shared>>)
        tpu.yield
      }) : () -> ()
    } else {
    }
    %barrier3A = arith.constant 0 : index
    tpu.barrier barrier_id(%barrier3A)
    %mul3A_3 = arith.constant 16 : i32
    %mul3A_4 = arith.muli %arg0, %mul3A_3 : i32
    %add3A = arith.addi %mul3A_4, %arg1 : i32
    %mul3A_5 = arith.constant 10000 : i32
    %mul3A_6 = arith.muli %add3A, %mul3A_5 : i32
    %scan3A = arith.constant 0 : i32
    %scan3A_7 = arith.constant 0 : i32
    %scan3A_8 = arith.constant 125 : i32
    %scan3A_9 = arith.addi %scan3A_7, %scan3A_8 : i32
    %scan3A_10 = arith.constant 1 : i32
    scf.for %scan3A_21 = %scan3A_7 to %scan3A_9 step %scan3A_10  : i32 {
      %mul3A_22 = arith.constant 80 : i32
      %mul3A_23 = arith.muli %scan3A_21, %mul3A_22 : i32
      %add3A_24 = arith.addi %mul3A_6, %mul3A_23 : i32
      "tpu.region"() ({
        %run_scoped3A = tpu.sem_alloc : memref<!tpu.dma_semaphore, #tpu.memory_space<semaphore_mem>>
        %dma_start3A_29 = tpu.memref_slice %arg3[%add3A_24] : memref<320000xi32, #tpu.memory_space<hbm>> -> memref<80xi32, #tpu.memory_space<hbm>>
        %dma_start3A_30 = tpu.memref_slice %arg3[%add3A_24] : memref<320000xi32, #tpu.memory_space<hbm>> -> memref<80xi32, #tpu.memory_space<hbm>>
        tpu.enqueue_dma source(%dma_start3A_30 : memref<80xi32, #tpu.memory_space<hbm>>) target(%arg6 : memref<80xi32, #tpu.memory_space<vmem>>) target_semaphore(%run_scoped3A : memref<!tpu.dma_semaphore, #tpu.memory_space<semaphore_mem>>)
        %dma_wait3A_31 = tpu.memref_slice %arg3[%add3A_24] : memref<320000xi32, #tpu.memory_space<hbm>> -> memref<80xi32, #tpu.memory_space<hbm>>
        %dma_wait3A_32 = tpu.memref_slice %arg3[%add3A_24] : memref<320000xi32, #tpu.memory_space<hbm>> -> memref<80xi32, #tpu.memory_space<hbm>>
        tpu.wait_dma2 semaphore(%run_scoped3A : memref<!tpu.dma_semaphore, #tpu.memory_space<semaphore_mem>>) src(%dma_wait3A_32 : memref<80xi32, #tpu.memory_space<hbm>>) dst(%arg6 : memref<80xi32, #tpu.memory_space<vmem>>)
        tpu.yield
      }) : () -> ()
      %dma_start3A = arith.constant 0 : i32
      %dma_start3A_25 = arith.constant 0 : i32
      %dma_start3A_26 = tpu.memref_slice %arg2[%dma_start3A, %dma_start3A_25] : memref<10000x128xf32, #tpu.memory_space<hbm>> -> memref<10000x128xf32, #tpu.memory_space<hbm>>
      tpu.enqueue_indirect_dma source(%dma_start3A_26 : memref<10000x128xf32, #tpu.memory_space<hbm>>) target(%arg7 : memref<80x128xf32, #tpu.memory_space<vmem>>) offsets(%arg6 : memref<80xi32, #tpu.memory_space<vmem>>) semaphore(%arg10 : memref<!tpu.dma_semaphore, #tpu.memory_space<semaphore_mem>>)
      %dma_wait3A = arith.constant 0 : i32
      %dma_wait3A_27 = arith.constant 0 : i32
      %dma_wait3A_28 = tpu.memref_slice %arg2[%dma_wait3A, %dma_wait3A_27] : memref<10000x128xf32, #tpu.memory_space<hbm>> -> memref<10000x128xf32, #tpu.memory_space<hbm>>
      tpu.wait_indirect_dma semaphore(%arg10 : memref<!tpu.dma_semaphore, #tpu.memory_space<semaphore_mem>>) src(%dma_wait3A_28 : memref<10000x128xf32, #tpu.memory_space<hbm>>) dst(%arg7 : memref<80x128xf32, #tpu.memory_space<vmem>>)
      "tpu.region"() ({
        %run_scoped3A = tpu.sem_alloc : memref<!tpu.dma_semaphore, #tpu.memory_space<semaphore_mem>>
        %dma_start3A_29 = tpu.memref_slice %arg4[%add3A_24] : memref<320000xi32, #tpu.memory_space<hbm>> -> memref<80xi32, #tpu.memory_space<hbm>>
        %dma_start3A_30 = tpu.memref_slice %arg4[%add3A_24] : memref<320000xi32, #tpu.memory_space<hbm>> -> memref<80xi32, #tpu.memory_space<hbm>>
        tpu.enqueue_dma source(%dma_start3A_30 : memref<80xi32, #tpu.memory_space<hbm>>) target(%arg8 : memref<80xi32, #tpu.memory_space<vmem>>) target_semaphore(%run_scoped3A : memref<!tpu.dma_semaphore, #tpu.memory_space<semaphore_mem>>)
        %dma_wait3A_31 = tpu.memref_slice %arg4[%add3A_24] : memref<320000xi32, #tpu.memory_space<hbm>> -> memref<80xi32, #tpu.memory_space<hbm>>
        %dma_wait3A_32 = tpu.memref_slice %arg4[%add3A_24] : memref<320000xi32, #tpu.memory_space<hbm>> -> memref<80xi32, #tpu.memory_space<hbm>>
        tpu.wait_dma2 semaphore(%run_scoped3A : memref<!tpu.dma_semaphore, #tpu.memory_space<semaphore_mem>>) src(%dma_wait3A_32 : memref<80xi32, #tpu.memory_space<hbm>>) dst(%arg8 : memref<80xi32, #tpu.memory_space<vmem>>)
        tpu.yield
      }) : () -> ()
      "tpu.region"() ({
        %run_scoped3A = tpu.sem_alloc : memref<!tpu.dma_semaphore, #tpu.memory_space<semaphore_mem>>
        %dma_start3A_29 = arith.constant 0 : i32
        %dma_start3A_30 = arith.constant 0 : i32
        %dma_start3A_31 = tpu.memref_slice %arg9[%dma_start3A_29, %dma_start3A_30] : memref<10000x128xf32, #tpu.memory_space<vmem_shared>> -> memref<10000x128xf32, #tpu.memory_space<vmem_shared>>
        tpu.enqueue_indirect_dma source(%arg7 : memref<80x128xf32, #tpu.memory_space<vmem>>) target(%dma_start3A_31 : memref<10000x128xf32, #tpu.memory_space<vmem_shared>>) offsets(%arg8 : memref<80xi32, #tpu.memory_space<vmem>>) semaphore(%run_scoped3A : memref<!tpu.dma_semaphore, #tpu.memory_space<semaphore_mem>>) {add = true}
        %dma_wait3A_32 = arith.constant 0 : i32
        %dma_wait3A_33 = arith.constant 0 : i32
        %dma_wait3A_34 = tpu.memref_slice %arg9[%dma_wait3A_32, %dma_wait3A_33] : memref<10000x128xf32, #tpu.memory_space<vmem_shared>> -> memref<10000x128xf32, #tpu.memory_space<vmem_shared>>
        tpu.wait_indirect_dma semaphore(%run_scoped3A : memref<!tpu.dma_semaphore, #tpu.memory_space<semaphore_mem>>) src(%arg7 : memref<80x128xf32, #tpu.memory_space<vmem>>) dst(%dma_wait3A_34 : memref<10000x128xf32, #tpu.memory_space<vmem_shared>>)
        tpu.yield
      }) : () -> ()
    }
    %scan3A_11 = arith.constant 125 : i32
    %barrier3A_12 = arith.constant 0 : index
    tpu.barrier barrier_id(%barrier3A_12)
    %mul3A_13 = arith.constant 10000 : i32
    %mul3A_14 = arith.muli %arg0, %mul3A_13 : i32
    %add3A_15 = arith.addi %mul3A_14, %mul3A_0 : i32
    "tpu.region"() ({
      %run_scoped3A = tpu.sem_alloc : memref<!tpu.dma_semaphore, #tpu.memory_space<semaphore_mem>>
      %dma_start3A = arith.constant 0 : i32
      %dma_start3A_21 = tpu.memref_slice %arg5[%add3A_15, %dma_start3A] : memref<20000x128xf32, #tpu.memory_space<hbm>> -> memref<624x128xf32, #tpu.memory_space<hbm>>
      %dma_start3A_22 = arith.constant 0 : i32
      %dma_start3A_23 = tpu.memref_slice %arg9[%mul3A_0, %dma_start3A_22] : memref<10000x128xf32, #tpu.memory_space<vmem_shared>> -> memref<624x128xf32, #tpu.memory_space<vmem_shared>>
      tpu.enqueue_dma source(%dma_start3A_23 : memref<624x128xf32, #tpu.memory_space<vmem_shared>>) target(%dma_start3A_21 : memref<624x128xf32, #tpu.memory_space<hbm>>) target_semaphore(%run_scoped3A : memref<!tpu.dma_semaphore, #tpu.memory_space<semaphore_mem>>)
      %dma_wait3A = arith.constant 0 : i32
      %dma_wait3A_24 = tpu.memref_slice %arg5[%add3A_15, %dma_wait3A] : memref<20000x128xf32, #tpu.memory_space<hbm>> -> memref<624x128xf32, #tpu.memory_space<hbm>>
      %dma_wait3A_25 = arith.constant 0 : i32
      %dma_wait3A_26 = tpu.memref_slice %arg9[%mul3A_0, %dma_wait3A_25] : memref<10000x128xf32, #tpu.memory_space<vmem_shared>> -> memref<624x128xf32, #tpu.memory_space<vmem_shared>>
      tpu.wait_dma2 semaphore(%run_scoped3A : memref<!tpu.dma_semaphore, #tpu.memory_space<semaphore_mem>>) src(%dma_wait3A_26 : memref<624x128xf32, #tpu.memory_space<vmem_shared>>) dst(%dma_wait3A_24 : memref<624x128xf32, #tpu.memory_space<hbm>>)
      tpu.yield
    }) : () -> ()
    %eq3A_16 = arith.constant 15 : i32
    %eq3A_17 = arith.cmpi eq, %arg1, %eq3A_16 : i32
    %convert_element_type3A_18 = arith.extui %eq3A_17 : i1 to i32
    %cond3A_19 = arith.constant 0 : i32
    %cond3A_20 = arith.cmpi ne, %convert_element_type3A_18, %cond3A_19 : i32
    scf.if %cond3A_20 {
      %mul3A_21 = arith.constant 10000 : i32
      %mul3A_22 = arith.muli %arg0, %mul3A_21 : i32
      %add3A_23 = arith.constant 9984 : i32
      %add3A_24 = arith.addi %mul3A_22, %add3A_23 : i32
      "tpu.region"() ({
        %run_scoped3A = tpu.sem_alloc : memref<!tpu.dma_semaphore, #tpu.memory_space<semaphore_mem>>
        %dma_start3A = arith.constant 0 : i32
        %dma_start3A_25 = tpu.memref_slice %arg5[%add3A_24, %dma_start3A] : memref<20000x128xf32, #tpu.memory_space<hbm>> -> memref<16x128xf32, #tpu.memory_space<hbm>>
        %dma_start3A_26 = arith.constant 9984 : i32
        %dma_start3A_27 = arith.constant 0 : i32
        %dma_start3A_28 = tpu.memref_slice %arg9[%dma_start3A_26, %dma_start3A_27] : memref<10000x128xf32, #tpu.memory_space<vmem_shared>> -> memref<16x128xf32, #tpu.memory_space<vmem_shared>>
        tpu.enqueue_dma source(%dma_start3A_28 : memref<16x128xf32, #tpu.memory_space<vmem_shared>>) target(%dma_start3A_25 : memref<16x128xf32, #tpu.memory_space<hbm>>) target_semaphore(%run_scoped3A : memref<!tpu.dma_semaphore, #tpu.memory_space<semaphore_mem>>)
        %dma_wait3A = arith.constant 0 : i32
        %dma_wait3A_29 = tpu.memref_slice %arg5[%add3A_24, %dma_wait3A] : memref<20000x128xf32, #tpu.memory_space<hbm>> -> memref<16x128xf32, #tpu.memory_space<hbm>>
        %dma_wait3A_30 = arith.constant 9984 : i32
        %dma_wait3A_31 = arith.constant 0 : i32
        %dma_wait3A_32 = tpu.memref_slice %arg9[%dma_wait3A_30, %dma_wait3A_31] : memref<10000x128xf32, #tpu.memory_space<vmem_shared>> -> memref<16x128xf32, #tpu.memory_space<vmem_shared>>
        tpu.wait_dma2 semaphore(%run_scoped3A : memref<!tpu.dma_semaphore, #tpu.memory_space<semaphore_mem>>) src(%dma_wait3A_32 : memref<16x128xf32, #tpu.memory_space<vmem_shared>>) dst(%dma_wait3A_29 : memref<16x128xf32, #tpu.memory_space<hbm>>)
        tpu.yield
      }) : () -> ()
    } else {
    }
    return
  }
}

#map = affine_map<(d0, d1) -> (0, 0)>
#map1 = affine_map<(d0, d1) -> (0)>
module attributes {stable_mosaic.version = 14 : i64} {
  func.func @gin_edge_agg_sc(%arg0: i32, %arg1: i32, %arg2: memref<10000x128xf32, #tpu.memory_space<hbm>>, %arg3: memref<320000xi32, #tpu.memory_space<hbm>>, %arg4: memref<320000xi32, #tpu.memory_space<hbm>>, %arg5: memref<20000x128xf32, #tpu.memory_space<hbm>>, %arg6: memref<80xi32, #tpu.memory_space<vmem>>, %arg7: memref<80x128xf32, #tpu.memory_space<vmem>>, %arg8: memref<80xi32, #tpu.memory_space<vmem>>, %arg9: memref<10000x128xf32, #tpu.memory_space<vmem_shared>>, %arg10: memref<!tpu.dma_semaphore, #tpu.memory_space<semaphore_mem>>) attributes {dimension_semantics = [#tpu.dimension_semantics<core_parallel>, #tpu.dimension_semantics<subcore_parallel>], iteration_bounds = array<i64: 2, 16>, scalar_prefetch = 0 : i64, scratch_operands = 5 : i64, tpu.core_type = #tpu.core_type<sc_vector_subcore>, window_params = [{transform_indices = #map}, {transform_indices = #map1}, {transform_indices = #map1}, {transform_indices = #map}]} {
    %mul3A = arith.constant 624 : i32
    %mul3A_0 = arith.muli %arg1, %mul3A : i32
    "tpu.region"() ({
      %run_scoped3A = tpu.sem_alloc : memref<!tpu.dma_semaphore, #tpu.memory_space<semaphore_mem>>
      %dma_start3A = arith.constant 0 : i32
      %dma_start3A_21 = tpu.memref_slice %arg9[%mul3A_0, %dma_start3A] : memref<10000x128xf32, #tpu.memory_space<vmem_shared>> -> memref<624x128xf32, #tpu.memory_space<vmem_shared>>
      %dma_start3A_22 = arith.constant 0 : i32
      %dma_start3A_23 = tpu.memref_slice %arg2[%mul3A_0, %dma_start3A_22] : memref<10000x128xf32, #tpu.memory_space<hbm>> -> memref<624x128xf32, #tpu.memory_space<hbm>>
      tpu.enqueue_dma source(%dma_start3A_23 : memref<624x128xf32, #tpu.memory_space<hbm>>) target(%dma_start3A_21 : memref<624x128xf32, #tpu.memory_space<vmem_shared>>) target_semaphore(%run_scoped3A : memref<!tpu.dma_semaphore, #tpu.memory_space<semaphore_mem>>)
      %dma_wait3A = arith.constant 0 : i32
      %dma_wait3A_24 = tpu.memref_slice %arg9[%mul3A_0, %dma_wait3A] : memref<10000x128xf32, #tpu.memory_space<vmem_shared>> -> memref<624x128xf32, #tpu.memory_space<vmem_shared>>
      %dma_wait3A_25 = arith.constant 0 : i32
      %dma_wait3A_26 = tpu.memref_slice %arg2[%mul3A_0, %dma_wait3A_25] : memref<10000x128xf32, #tpu.memory_space<hbm>> -> memref<624x128xf32, #tpu.memory_space<hbm>>
      tpu.wait_dma2 semaphore(%run_scoped3A : memref<!tpu.dma_semaphore, #tpu.memory_space<semaphore_mem>>) src(%dma_wait3A_26 : memref<624x128xf32, #tpu.memory_space<hbm>>) dst(%dma_wait3A_24 : memref<624x128xf32, #tpu.memory_space<vmem_shared>>)
      tpu.yield
    }) : () -> ()
    %eq3A = arith.constant 15 : i32
    %eq3A_1 = arith.cmpi eq, %arg1, %eq3A : i32
    %convert_element_type3A = arith.extui %eq3A_1 : i1 to i32
    %cond3A = arith.constant 0 : i32
    %cond3A_2 = arith.cmpi ne, %convert_element_type3A, %cond3A : i32
    scf.if %cond3A_2 {
      "tpu.region"() ({
        %run_scoped3A = tpu.sem_alloc : memref<!tpu.dma_semaphore, #tpu.memory_space<semaphore_mem>>
        %dma_start3A = arith.constant 9984 : i32
        %dma_start3A_21 = arith.constant 0 : i32
        %dma_start3A_22 = tpu.memref_slice %arg9[%dma_start3A, %dma_start3A_21] : memref<10000x128xf32, #tpu.memory_space<vmem_shared>> -> memref<16x128xf32, #tpu.memory_space<vmem_shared>>
        %dma_start3A_23 = arith.constant 9984 : i32
        %dma_start3A_24 = arith.constant 0 : i32
        %dma_start3A_25 = tpu.memref_slice %arg2[%dma_start3A_23, %dma_start3A_24] : memref<10000x128xf32, #tpu.memory_space<hbm>> -> memref<16x128xf32, #tpu.memory_space<hbm>>
        tpu.enqueue_dma source(%dma_start3A_25 : memref<16x128xf32, #tpu.memory_space<hbm>>) target(%dma_start3A_22 : memref<16x128xf32, #tpu.memory_space<vmem_shared>>) target_semaphore(%run_scoped3A : memref<!tpu.dma_semaphore, #tpu.memory_space<semaphore_mem>>)
        %dma_wait3A = arith.constant 9984 : i32
        %dma_wait3A_26 = arith.constant 0 : i32
        %dma_wait3A_27 = tpu.memref_slice %arg9[%dma_wait3A, %dma_wait3A_26] : memref<10000x128xf32, #tpu.memory_space<vmem_shared>> -> memref<16x128xf32, #tpu.memory_space<vmem_shared>>
        %dma_wait3A_28 = arith.constant 9984 : i32
        %dma_wait3A_29 = arith.constant 0 : i32
        %dma_wait3A_30 = tpu.memref_slice %arg2[%dma_wait3A_28, %dma_wait3A_29] : memref<10000x128xf32, #tpu.memory_space<hbm>> -> memref<16x128xf32, #tpu.memory_space<hbm>>
        tpu.wait_dma2 semaphore(%run_scoped3A : memref<!tpu.dma_semaphore, #tpu.memory_space<semaphore_mem>>) src(%dma_wait3A_30 : memref<16x128xf32, #tpu.memory_space<hbm>>) dst(%dma_wait3A_27 : memref<16x128xf32, #tpu.memory_space<vmem_shared>>)
        tpu.yield
      }) : () -> ()
    } else {
    }
    %barrier3A = arith.constant 0 : index
    tpu.barrier barrier_id(%barrier3A)
    %mul3A_3 = arith.constant 16 : i32
    %mul3A_4 = arith.muli %arg0, %mul3A_3 : i32
    %add3A = arith.addi %mul3A_4, %arg1 : i32
    %mul3A_5 = arith.constant 10000 : i32
    %mul3A_6 = arith.muli %add3A, %mul3A_5 : i32
    %scan3A = arith.constant 0 : i32
    %scan3A_7 = arith.constant 0 : i32
    %scan3A_8 = arith.constant 125 : i32
    %scan3A_9 = arith.addi %scan3A_7, %scan3A_8 : i32
    %scan3A_10 = arith.constant 1 : i32
    scf.for %scan3A_21 = %scan3A_7 to %scan3A_9 step %scan3A_10  : i32 {
      %mul3A_22 = arith.constant 80 : i32
      %mul3A_23 = arith.muli %scan3A_21, %mul3A_22 : i32
      %add3A_24 = arith.addi %mul3A_6, %mul3A_23 : i32
      "tpu.region"() ({
        %run_scoped3A = tpu.sem_alloc : memref<!tpu.dma_semaphore, #tpu.memory_space<semaphore_mem>>
        %dma_start3A_29 = tpu.memref_slice %arg3[%add3A_24] : memref<320000xi32, #tpu.memory_space<hbm>> -> memref<80xi32, #tpu.memory_space<hbm>>
        %dma_start3A_30 = tpu.memref_slice %arg3[%add3A_24] : memref<320000xi32, #tpu.memory_space<hbm>> -> memref<80xi32, #tpu.memory_space<hbm>>
        tpu.enqueue_dma source(%dma_start3A_30 : memref<80xi32, #tpu.memory_space<hbm>>) target(%arg6 : memref<80xi32, #tpu.memory_space<vmem>>) target_semaphore(%run_scoped3A : memref<!tpu.dma_semaphore, #tpu.memory_space<semaphore_mem>>)
        %dma_wait3A_31 = tpu.memref_slice %arg3[%add3A_24] : memref<320000xi32, #tpu.memory_space<hbm>> -> memref<80xi32, #tpu.memory_space<hbm>>
        %dma_wait3A_32 = tpu.memref_slice %arg3[%add3A_24] : memref<320000xi32, #tpu.memory_space<hbm>> -> memref<80xi32, #tpu.memory_space<hbm>>
        tpu.wait_dma2 semaphore(%run_scoped3A : memref<!tpu.dma_semaphore, #tpu.memory_space<semaphore_mem>>) src(%dma_wait3A_32 : memref<80xi32, #tpu.memory_space<hbm>>) dst(%arg6 : memref<80xi32, #tpu.memory_space<vmem>>)
        tpu.yield
      }) : () -> ()
      %dma_start3A = arith.constant 0 : i32
      %dma_start3A_25 = arith.constant 0 : i32
      %dma_start3A_26 = tpu.memref_slice %arg2[%dma_start3A, %dma_start3A_25] : memref<10000x128xf32, #tpu.memory_space<hbm>> -> memref<10000x128xf32, #tpu.memory_space<hbm>>
      tpu.enqueue_indirect_dma source(%dma_start3A_26 : memref<10000x128xf32, #tpu.memory_space<hbm>>) target(%arg7 : memref<80x128xf32, #tpu.memory_space<vmem>>) offsets(%arg6 : memref<80xi32, #tpu.memory_space<vmem>>) semaphore(%arg10 : memref<!tpu.dma_semaphore, #tpu.memory_space<semaphore_mem>>)
      %dma_wait3A = arith.constant 0 : i32
      %dma_wait3A_27 = arith.constant 0 : i32
      %dma_wait3A_28 = tpu.memref_slice %arg2[%dma_wait3A, %dma_wait3A_27] : memref<10000x128xf32, #tpu.memory_space<hbm>> -> memref<10000x128xf32, #tpu.memory_space<hbm>>
      tpu.wait_indirect_dma semaphore(%arg10 : memref<!tpu.dma_semaphore, #tpu.memory_space<semaphore_mem>>) src(%dma_wait3A_28 : memref<10000x128xf32, #tpu.memory_space<hbm>>) dst(%arg7 : memref<80x128xf32, #tpu.memory_space<vmem>>)
      "tpu.region"() ({
        %run_scoped3A = tpu.sem_alloc : memref<!tpu.dma_semaphore, #tpu.memory_space<semaphore_mem>>
        %dma_start3A_29 = tpu.memref_slice %arg4[%add3A_24] : memref<320000xi32, #tpu.memory_space<hbm>> -> memref<80xi32, #tpu.memory_space<hbm>>
        %dma_start3A_30 = tpu.memref_slice %arg4[%add3A_24] : memref<320000xi32, #tpu.memory_space<hbm>> -> memref<80xi32, #tpu.memory_space<hbm>>
        tpu.enqueue_dma source(%dma_start3A_30 : memref<80xi32, #tpu.memory_space<hbm>>) target(%arg8 : memref<80xi32, #tpu.memory_space<vmem>>) target_semaphore(%run_scoped3A : memref<!tpu.dma_semaphore, #tpu.memory_space<semaphore_mem>>)
        %dma_wait3A_31 = tpu.memref_slice %arg4[%add3A_24] : memref<320000xi32, #tpu.memory_space<hbm>> -> memref<80xi32, #tpu.memory_space<hbm>>
        %dma_wait3A_32 = tpu.memref_slice %arg4[%add3A_24] : memref<320000xi32, #tpu.memory_space<hbm>> -> memref<80xi32, #tpu.memory_space<hbm>>
        tpu.wait_dma2 semaphore(%run_scoped3A : memref<!tpu.dma_semaphore, #tpu.memory_space<semaphore_mem>>) src(%dma_wait3A_32 : memref<80xi32, #tpu.memory_space<hbm>>) dst(%arg8 : memref<80xi32, #tpu.memory_space<vmem>>)
        tpu.yield
      }) : () -> ()
      "tpu.region"() ({
        %run_scoped3A = tpu.sem_alloc : memref<!tpu.dma_semaphore, #tpu.memory_space<semaphore_mem>>
        %dma_start3A_29 = arith.constant 0 : i32
        %dma_start3A_30 = arith.constant 0 : i32
        %dma_start3A_31 = tpu.memref_slice %arg9[%dma_start3A_29, %dma_start3A_30] : memref<10000x128xf32, #tpu.memory_space<vmem_shared>> -> memref<10000x128xf32, #tpu.memory_space<vmem_shared>>
        tpu.enqueue_indirect_dma source(%arg7 : memref<80x128xf32, #tpu.memory_space<vmem>>) target(%dma_start3A_31 : memref<10000x128xf32, #tpu.memory_space<vmem_shared>>) offsets(%arg8 : memref<80xi32, #tpu.memory_space<vmem>>) semaphore(%run_scoped3A : memref<!tpu.dma_semaphore, #tpu.memory_space<semaphore_mem>>) {add = true}
        %dma_wait3A_32 = arith.constant 0 : i32
        %dma_wait3A_33 = arith.constant 0 : i32
        %dma_wait3A_34 = tpu.memref_slice %arg9[%dma_wait3A_32, %dma_wait3A_33] : memref<10000x128xf32, #tpu.memory_space<vmem_shared>> -> memref<10000x128xf32, #tpu.memory_space<vmem_shared>>
        tpu.wait_indirect_dma semaphore(%run_scoped3A : memref<!tpu.dma_semaphore, #tpu.memory_space<semaphore_mem>>) src(%arg7 : memref<80x128xf32, #tpu.memory_space<vmem>>) dst(%dma_wait3A_34 : memref<10000x128xf32, #tpu.memory_space<vmem_shared>>)
        tpu.yield
      }) : () -> ()
    }
    %scan3A_11 = arith.constant 125 : i32
    %barrier3A_12 = arith.constant 0 : index
    tpu.barrier barrier_id(%barrier3A_12)
    %mul3A_13 = arith.constant 10000 : i32
    %mul3A_14 = arith.muli %arg0, %mul3A_13 : i32
    %add3A_15 = arith.addi %mul3A_14, %mul3A_0 : i32
    "tpu.region"() ({
      %run_scoped3A = tpu.sem_alloc : memref<!tpu.dma_semaphore, #tpu.memory_space<semaphore_mem>>
      %dma_start3A = arith.constant 0 : i32
      %dma_start3A_21 = tpu.memref_slice %arg5[%add3A_15, %dma_start3A] : memref<20000x128xf32, #tpu.memory_space<hbm>> -> memref<624x128xf32, #tpu.memory_space<hbm>>
      %dma_start3A_22 = arith.constant 0 : i32
      %dma_start3A_23 = tpu.memref_slice %arg9[%mul3A_0, %dma_start3A_22] : memref<10000x128xf32, #tpu.memory_space<vmem_shared>> -> memref<624x128xf32, #tpu.memory_space<vmem_shared>>
      tpu.enqueue_dma source(%dma_start3A_23 : memref<624x128xf32, #tpu.memory_space<vmem_shared>>) target(%dma_start3A_21 : memref<624x128xf32, #tpu.memory_space<hbm>>) target_semaphore(%run_scoped3A : memref<!tpu.dma_semaphore, #tpu.memory_space<semaphore_mem>>)
      %dma_wait3A = arith.constant 0 : i32
      %dma_wait3A_24 = tpu.memref_slice %arg5[%add3A_15, %dma_wait3A] : memref<20000x128xf32, #tpu.memory_space<hbm>> -> memref<624x128xf32, #tpu.memory_space<hbm>>
      %dma_wait3A_25 = arith.constant 0 : i32
      %dma_wait3A_26 = tpu.memref_slice %arg9[%mul3A_0, %dma_wait3A_25] : memref<10000x128xf32, #tpu.memory_space<vmem_shared>> -> memref<624x128xf32, #tpu.memory_space<vmem_shared>>
      tpu.wait_dma2 semaphore(%run_scoped3A : memref<!tpu.dma_semaphore, #tpu.memory_space<semaphore_mem>>) src(%dma_wait3A_26 : memref<624x128xf32, #tpu.memory_space<vmem_shared>>) dst(%dma_wait3A_24 : memref<624x128xf32, #tpu.memory_space<hbm>>)
      tpu.yield
    }) : () -> ()
    %eq3A_16 = arith.constant 15 : i32
    %eq3A_17 = arith.cmpi eq, %arg1, %eq3A_16 : i32
    %convert_element_type3A_18 = arith.extui %eq3A_17 : i1 to i32
    %cond3A_19 = arith.constant 0 : i32
    %cond3A_20 = arith.cmpi ne, %convert_element_type3A_18, %cond3A_19 : i32
    scf.if %cond3A_20 {
      %mul3A_21 = arith.constant 10000 : i32
      %mul3A_22 = arith.muli %arg0, %mul3A_21 : i32
      %add3A_23 = arith.constant 9984 : i32
      %add3A_24 = arith.addi %mul3A_22, %add3A_23 : i32
      "tpu.region"() ({
        %run_scoped3A = tpu.sem_alloc : memref<!tpu.dma_semaphore, #tpu.memory_space<semaphore_mem>>
        %dma_start3A = arith.constant 0 : i32
        %dma_start3A_25 = tpu.memref_slice %arg5[%add3A_24, %dma_start3A] : memref<20000x128xf32, #tpu.memory_space<hbm>> -> memref<16x128xf32, #tpu.memory_space<hbm>>
        %dma_start3A_26 = arith.constant 9984 : i32
        %dma_start3A_27 = arith.constant 0 : i32
        %dma_start3A_28 = tpu.memref_slice %arg9[%dma_start3A_26, %dma_start3A_27] : memref<10000x128xf32, #tpu.memory_space<vmem_shared>> -> memref<16x128xf32, #tpu.memory_space<vmem_shared>>
        tpu.enqueue_dma source(%dma_start3A_28 : memref<16x128xf32, #tpu.memory_space<vmem_shared>>) target(%dma_start3A_25 : memref<16x128xf32, #tpu.memory_space<hbm>>) target_semaphore(%run_scoped3A : memref<!tpu.dma_semaphore, #tpu.memory_space<semaphore_mem>>)
        %dma_wait3A = arith.constant 0 : i32
        %dma_wait3A_29 = tpu.memref_slice %arg5[%add3A_24, %dma_wait3A] : memref<20000x128xf32, #tpu.memory_space<hbm>> -> memref<16x128xf32, #tpu.memory_space<hbm>>
        %dma_wait3A_30 = arith.constant 9984 : i32
        %dma_wait3A_31 = arith.constant 0 : i32
        %dma_wait3A_32 = tpu.memref_slice %arg9[%dma_wait3A_30, %dma_wait3A_31] : memref<10000x128xf32, #tpu.memory_space<vmem_shared>> -> memref<16x128xf32, #tpu.memory_space<vmem_shared>>
        tpu.wait_dma2 semaphore(%run_scoped3A : memref<!tpu.dma_semaphore, #tpu.memory_space<semaphore_mem>>) src(%dma_wait3A_32 : memref<16x128xf32, #tpu.memory_space<vmem_shared>>) dst(%dma_wait3A_29 : memref<16x128xf32, #tpu.memory_space<hbm>>)
        tpu.yield
      }) : () -> ()
    } else {
    }
    return
  }
}

#map = affine_map<(d0, d1) -> (0, 0)>
#map1 = affine_map<(d0, d1) -> (0)>
module attributes {stable_mosaic.version = 14 : i64} {
  func.func @gin_edge_agg_sc(%arg0: i32, %arg1: i32, %arg2: memref<10000x128xf32, #tpu.memory_space<hbm>>, %arg3: memref<320000xi32, #tpu.memory_space<hbm>>, %arg4: memref<320000xi32, #tpu.memory_space<hbm>>, %arg5: memref<20000x128xf32, #tpu.memory_space<hbm>>, %arg6: memref<80xi32, #tpu.memory_space<vmem>>, %arg7: memref<80x128xf32, #tpu.memory_space<vmem>>, %arg8: memref<80xi32, #tpu.memory_space<vmem>>, %arg9: memref<10000x128xf32, #tpu.memory_space<vmem_shared>>, %arg10: memref<!tpu.dma_semaphore, #tpu.memory_space<semaphore_mem>>) attributes {dimension_semantics = [#tpu.dimension_semantics<core_parallel>, #tpu.dimension_semantics<subcore_parallel>], iteration_bounds = array<i64: 2, 16>, scalar_prefetch = 0 : i64, scratch_operands = 5 : i64, tpu.core_type = #tpu.core_type<sc_vector_subcore>, window_params = [{transform_indices = #map}, {transform_indices = #map1}, {transform_indices = #map1}, {transform_indices = #map}]} {
    %mul3A = arith.constant 624 : i32
    %mul3A_0 = arith.muli %arg1, %mul3A : i32
    "tpu.region"() ({
      %run_scoped3A = tpu.sem_alloc : memref<!tpu.dma_semaphore, #tpu.memory_space<semaphore_mem>>
      %dma_start3A = arith.constant 0 : i32
      %dma_start3A_21 = tpu.memref_slice %arg9[%mul3A_0, %dma_start3A] : memref<10000x128xf32, #tpu.memory_space<vmem_shared>> -> memref<624x128xf32, #tpu.memory_space<vmem_shared>>
      %dma_start3A_22 = arith.constant 0 : i32
      %dma_start3A_23 = tpu.memref_slice %arg2[%mul3A_0, %dma_start3A_22] : memref<10000x128xf32, #tpu.memory_space<hbm>> -> memref<624x128xf32, #tpu.memory_space<hbm>>
      tpu.enqueue_dma source(%dma_start3A_23 : memref<624x128xf32, #tpu.memory_space<hbm>>) target(%dma_start3A_21 : memref<624x128xf32, #tpu.memory_space<vmem_shared>>) target_semaphore(%run_scoped3A : memref<!tpu.dma_semaphore, #tpu.memory_space<semaphore_mem>>)
      %dma_wait3A = arith.constant 0 : i32
      %dma_wait3A_24 = tpu.memref_slice %arg9[%mul3A_0, %dma_wait3A] : memref<10000x128xf32, #tpu.memory_space<vmem_shared>> -> memref<624x128xf32, #tpu.memory_space<vmem_shared>>
      %dma_wait3A_25 = arith.constant 0 : i32
      %dma_wait3A_26 = tpu.memref_slice %arg2[%mul3A_0, %dma_wait3A_25] : memref<10000x128xf32, #tpu.memory_space<hbm>> -> memref<624x128xf32, #tpu.memory_space<hbm>>
      tpu.wait_dma2 semaphore(%run_scoped3A : memref<!tpu.dma_semaphore, #tpu.memory_space<semaphore_mem>>) src(%dma_wait3A_26 : memref<624x128xf32, #tpu.memory_space<hbm>>) dst(%dma_wait3A_24 : memref<624x128xf32, #tpu.memory_space<vmem_shared>>)
      tpu.yield
    }) : () -> ()
    %eq3A = arith.constant 15 : i32
    %eq3A_1 = arith.cmpi eq, %arg1, %eq3A : i32
    %convert_element_type3A = arith.extui %eq3A_1 : i1 to i32
    %cond3A = arith.constant 0 : i32
    %cond3A_2 = arith.cmpi ne, %convert_element_type3A, %cond3A : i32
    scf.if %cond3A_2 {
      "tpu.region"() ({
        %run_scoped3A = tpu.sem_alloc : memref<!tpu.dma_semaphore, #tpu.memory_space<semaphore_mem>>
        %dma_start3A = arith.constant 9984 : i32
        %dma_start3A_21 = arith.constant 0 : i32
        %dma_start3A_22 = tpu.memref_slice %arg9[%dma_start3A, %dma_start3A_21] : memref<10000x128xf32, #tpu.memory_space<vmem_shared>> -> memref<16x128xf32, #tpu.memory_space<vmem_shared>>
        %dma_start3A_23 = arith.constant 9984 : i32
        %dma_start3A_24 = arith.constant 0 : i32
        %dma_start3A_25 = tpu.memref_slice %arg2[%dma_start3A_23, %dma_start3A_24] : memref<10000x128xf32, #tpu.memory_space<hbm>> -> memref<16x128xf32, #tpu.memory_space<hbm>>
        tpu.enqueue_dma source(%dma_start3A_25 : memref<16x128xf32, #tpu.memory_space<hbm>>) target(%dma_start3A_22 : memref<16x128xf32, #tpu.memory_space<vmem_shared>>) target_semaphore(%run_scoped3A : memref<!tpu.dma_semaphore, #tpu.memory_space<semaphore_mem>>)
        %dma_wait3A = arith.constant 9984 : i32
        %dma_wait3A_26 = arith.constant 0 : i32
        %dma_wait3A_27 = tpu.memref_slice %arg9[%dma_wait3A, %dma_wait3A_26] : memref<10000x128xf32, #tpu.memory_space<vmem_shared>> -> memref<16x128xf32, #tpu.memory_space<vmem_shared>>
        %dma_wait3A_28 = arith.constant 9984 : i32
        %dma_wait3A_29 = arith.constant 0 : i32
        %dma_wait3A_30 = tpu.memref_slice %arg2[%dma_wait3A_28, %dma_wait3A_29] : memref<10000x128xf32, #tpu.memory_space<hbm>> -> memref<16x128xf32, #tpu.memory_space<hbm>>
        tpu.wait_dma2 semaphore(%run_scoped3A : memref<!tpu.dma_semaphore, #tpu.memory_space<semaphore_mem>>) src(%dma_wait3A_30 : memref<16x128xf32, #tpu.memory_space<hbm>>) dst(%dma_wait3A_27 : memref<16x128xf32, #tpu.memory_space<vmem_shared>>)
        tpu.yield
      }) : () -> ()
    } else {
    }
    %barrier3A = arith.constant 0 : index
    tpu.barrier barrier_id(%barrier3A)
    %mul3A_3 = arith.constant 16 : i32
    %mul3A_4 = arith.muli %arg0, %mul3A_3 : i32
    %add3A = arith.addi %mul3A_4, %arg1 : i32
    %mul3A_5 = arith.constant 10000 : i32
    %mul3A_6 = arith.muli %add3A, %mul3A_5 : i32
    %scan3A = arith.constant 0 : i32
    %scan3A_7 = arith.constant 0 : i32
    %scan3A_8 = arith.constant 125 : i32
    %scan3A_9 = arith.addi %scan3A_7, %scan3A_8 : i32
    %scan3A_10 = arith.constant 1 : i32
    scf.for %scan3A_21 = %scan3A_7 to %scan3A_9 step %scan3A_10  : i32 {
      %mul3A_22 = arith.constant 80 : i32
      %mul3A_23 = arith.muli %scan3A_21, %mul3A_22 : i32
      %add3A_24 = arith.addi %mul3A_6, %mul3A_23 : i32
      "tpu.region"() ({
        %run_scoped3A = tpu.sem_alloc : memref<!tpu.dma_semaphore, #tpu.memory_space<semaphore_mem>>
        %dma_start3A_29 = tpu.memref_slice %arg3[%add3A_24] : memref<320000xi32, #tpu.memory_space<hbm>> -> memref<80xi32, #tpu.memory_space<hbm>>
        %dma_start3A_30 = tpu.memref_slice %arg3[%add3A_24] : memref<320000xi32, #tpu.memory_space<hbm>> -> memref<80xi32, #tpu.memory_space<hbm>>
        tpu.enqueue_dma source(%dma_start3A_30 : memref<80xi32, #tpu.memory_space<hbm>>) target(%arg6 : memref<80xi32, #tpu.memory_space<vmem>>) target_semaphore(%run_scoped3A : memref<!tpu.dma_semaphore, #tpu.memory_space<semaphore_mem>>)
        %dma_wait3A_31 = tpu.memref_slice %arg3[%add3A_24] : memref<320000xi32, #tpu.memory_space<hbm>> -> memref<80xi32, #tpu.memory_space<hbm>>
        %dma_wait3A_32 = tpu.memref_slice %arg3[%add3A_24] : memref<320000xi32, #tpu.memory_space<hbm>> -> memref<80xi32, #tpu.memory_space<hbm>>
        tpu.wait_dma2 semaphore(%run_scoped3A : memref<!tpu.dma_semaphore, #tpu.memory_space<semaphore_mem>>) src(%dma_wait3A_32 : memref<80xi32, #tpu.memory_space<hbm>>) dst(%arg6 : memref<80xi32, #tpu.memory_space<vmem>>)
        tpu.yield
      }) : () -> ()
      %dma_start3A = arith.constant 0 : i32
      %dma_start3A_25 = arith.constant 0 : i32
      %dma_start3A_26 = tpu.memref_slice %arg2[%dma_start3A, %dma_start3A_25] : memref<10000x128xf32, #tpu.memory_space<hbm>> -> memref<10000x128xf32, #tpu.memory_space<hbm>>
      tpu.enqueue_indirect_dma source(%dma_start3A_26 : memref<10000x128xf32, #tpu.memory_space<hbm>>) target(%arg7 : memref<80x128xf32, #tpu.memory_space<vmem>>) offsets(%arg6 : memref<80xi32, #tpu.memory_space<vmem>>) semaphore(%arg10 : memref<!tpu.dma_semaphore, #tpu.memory_space<semaphore_mem>>)
      %dma_wait3A = arith.constant 0 : i32
      %dma_wait3A_27 = arith.constant 0 : i32
      %dma_wait3A_28 = tpu.memref_slice %arg2[%dma_wait3A, %dma_wait3A_27] : memref<10000x128xf32, #tpu.memory_space<hbm>> -> memref<10000x128xf32, #tpu.memory_space<hbm>>
      tpu.wait_indirect_dma semaphore(%arg10 : memref<!tpu.dma_semaphore, #tpu.memory_space<semaphore_mem>>) src(%dma_wait3A_28 : memref<10000x128xf32, #tpu.memory_space<hbm>>) dst(%arg7 : memref<80x128xf32, #tpu.memory_space<vmem>>)
      "tpu.region"() ({
        %run_scoped3A = tpu.sem_alloc : memref<!tpu.dma_semaphore, #tpu.memory_space<semaphore_mem>>
        %dma_start3A_29 = tpu.memref_slice %arg4[%add3A_24] : memref<320000xi32, #tpu.memory_space<hbm>> -> memref<80xi32, #tpu.memory_space<hbm>>
        %dma_start3A_30 = tpu.memref_slice %arg4[%add3A_24] : memref<320000xi32, #tpu.memory_space<hbm>> -> memref<80xi32, #tpu.memory_space<hbm>>
        tpu.enqueue_dma source(%dma_start3A_30 : memref<80xi32, #tpu.memory_space<hbm>>) target(%arg8 : memref<80xi32, #tpu.memory_space<vmem>>) target_semaphore(%run_scoped3A : memref<!tpu.dma_semaphore, #tpu.memory_space<semaphore_mem>>)
        %dma_wait3A_31 = tpu.memref_slice %arg4[%add3A_24] : memref<320000xi32, #tpu.memory_space<hbm>> -> memref<80xi32, #tpu.memory_space<hbm>>
        %dma_wait3A_32 = tpu.memref_slice %arg4[%add3A_24] : memref<320000xi32, #tpu.memory_space<hbm>> -> memref<80xi32, #tpu.memory_space<hbm>>
        tpu.wait_dma2 semaphore(%run_scoped3A : memref<!tpu.dma_semaphore, #tpu.memory_space<semaphore_mem>>) src(%dma_wait3A_32 : memref<80xi32, #tpu.memory_space<hbm>>) dst(%arg8 : memref<80xi32, #tpu.memory_space<vmem>>)
        tpu.yield
      }) : () -> ()
      "tpu.region"() ({
        %run_scoped3A = tpu.sem_alloc : memref<!tpu.dma_semaphore, #tpu.memory_space<semaphore_mem>>
        %dma_start3A_29 = arith.constant 0 : i32
        %dma_start3A_30 = arith.constant 0 : i32
        %dma_start3A_31 = tpu.memref_slice %arg9[%dma_start3A_29, %dma_start3A_30] : memref<10000x128xf32, #tpu.memory_space<vmem_shared>> -> memref<10000x128xf32, #tpu.memory_space<vmem_shared>>
        tpu.enqueue_indirect_dma source(%arg7 : memref<80x128xf32, #tpu.memory_space<vmem>>) target(%dma_start3A_31 : memref<10000x128xf32, #tpu.memory_space<vmem_shared>>) offsets(%arg8 : memref<80xi32, #tpu.memory_space<vmem>>) semaphore(%run_scoped3A : memref<!tpu.dma_semaphore, #tpu.memory_space<semaphore_mem>>) {add = true}
        %dma_wait3A_32 = arith.constant 0 : i32
        %dma_wait3A_33 = arith.constant 0 : i32
        %dma_wait3A_34 = tpu.memref_slice %arg9[%dma_wait3A_32, %dma_wait3A_33] : memref<10000x128xf32, #tpu.memory_space<vmem_shared>> -> memref<10000x128xf32, #tpu.memory_space<vmem_shared>>
        tpu.wait_indirect_dma semaphore(%run_scoped3A : memref<!tpu.dma_semaphore, #tpu.memory_space<semaphore_mem>>) src(%arg7 : memref<80x128xf32, #tpu.memory_space<vmem>>) dst(%dma_wait3A_34 : memref<10000x128xf32, #tpu.memory_space<vmem_shared>>)
        tpu.yield
      }) : () -> ()
    }
    %scan3A_11 = arith.constant 125 : i32
    %barrier3A_12 = arith.constant 0 : index
    tpu.barrier barrier_id(%barrier3A_12)
    %mul3A_13 = arith.constant 10000 : i32
    %mul3A_14 = arith.muli %arg0, %mul3A_13 : i32
    %add3A_15 = arith.addi %mul3A_14, %mul3A_0 : i32
    "tpu.region"() ({
      %run_scoped3A = tpu.sem_alloc : memref<!tpu.dma_semaphore, #tpu.memory_space<semaphore_mem>>
      %dma_start3A = arith.constant 0 : i32
      %dma_start3A_21 = tpu.memref_slice %arg5[%add3A_15, %dma_start3A] : memref<20000x128xf32, #tpu.memory_space<hbm>> -> memref<624x128xf32, #tpu.memory_space<hbm>>
      %dma_start3A_22 = arith.constant 0 : i32
      %dma_start3A_23 = tpu.memref_slice %arg9[%mul3A_0, %dma_start3A_22] : memref<10000x128xf32, #tpu.memory_space<vmem_shared>> -> memref<624x128xf32, #tpu.memory_space<vmem_shared>>
      tpu.enqueue_dma source(%dma_start3A_23 : memref<624x128xf32, #tpu.memory_space<vmem_shared>>) target(%dma_start3A_21 : memref<624x128xf32, #tpu.memory_space<hbm>>) target_semaphore(%run_scoped3A : memref<!tpu.dma_semaphore, #tpu.memory_space<semaphore_mem>>)
      %dma_wait3A = arith.constant 0 : i32
      %dma_wait3A_24 = tpu.memref_slice %arg5[%add3A_15, %dma_wait3A] : memref<20000x128xf32, #tpu.memory_space<hbm>> -> memref<624x128xf32, #tpu.memory_space<hbm>>
      %dma_wait3A_25 = arith.constant 0 : i32
      %dma_wait3A_26 = tpu.memref_slice %arg9[%mul3A_0, %dma_wait3A_25] : memref<10000x128xf32, #tpu.memory_space<vmem_shared>> -> memref<624x128xf32, #tpu.memory_space<vmem_shared>>
      tpu.wait_dma2 semaphore(%run_scoped3A : memref<!tpu.dma_semaphore, #tpu.memory_space<semaphore_mem>>) src(%dma_wait3A_26 : memref<624x128xf32, #tpu.memory_space<vmem_shared>>) dst(%dma_wait3A_24 : memref<624x128xf32, #tpu.memory_space<hbm>>)
      tpu.yield
    }) : () -> ()
    %eq3A_16 = arith.constant 15 : i32
    %eq3A_17 = arith.cmpi eq, %arg1, %eq3A_16 : i32
    %convert_element_type3A_18 = arith.extui %eq3A_17 : i1 to i32
    %cond3A_19 = arith.constant 0 : i32
    %cond3A_20 = arith.cmpi ne, %convert_element_type3A_18, %cond3A_19 : i32
    scf.if %cond3A_20 {
      %mul3A_21 = arith.constant 10000 : i32
      %mul3A_22 = arith.muli %arg0, %mul3A_21 : i32
      %add3A_23 = arith.constant 9984 : i32
      %add3A_24 = arith.addi %mul3A_22, %add3A_23 : i32
      "tpu.region"() ({
        %run_scoped3A = tpu.sem_alloc : memref<!tpu.dma_semaphore, #tpu.memory_space<semaphore_mem>>
        %dma_start3A = arith.constant 0 : i32
        %dma_start3A_25 = tpu.memref_slice %arg5[%add3A_24, %dma_start3A] : memref<20000x128xf32, #tpu.memory_space<hbm>> -> memref<16x128xf32, #tpu.memory_space<hbm>>
        %dma_start3A_26 = arith.constant 9984 : i32
        %dma_start3A_27 = arith.constant 0 : i32
        %dma_start3A_28 = tpu.memref_slice %arg9[%dma_start3A_26, %dma_start3A_27] : memref<10000x128xf32, #tpu.memory_space<vmem_shared>> -> memref<16x128xf32, #tpu.memory_space<vmem_shared>>
        tpu.enqueue_dma source(%dma_start3A_28 : memref<16x128xf32, #tpu.memory_space<vmem_shared>>) target(%dma_start3A_25 : memref<16x128xf32, #tpu.memory_space<hbm>>) target_semaphore(%run_scoped3A : memref<!tpu.dma_semaphore, #tpu.memory_space<semaphore_mem>>)
        %dma_wait3A = arith.constant 0 : i32
        %dma_wait3A_29 = tpu.memref_slice %arg5[%add3A_24, %dma_wait3A] : memref<20000x128xf32, #tpu.memory_space<hbm>> -> memref<16x128xf32, #tpu.memory_space<hbm>>
        %dma_wait3A_30 = arith.constant 9984 : i32
        %dma_wait3A_31 = arith.constant 0 : i32
        %dma_wait3A_32 = tpu.memref_slice %arg9[%dma_wait3A_30, %dma_wait3A_31] : memref<10000x128xf32, #tpu.memory_space<vmem_shared>> -> memref<16x128xf32, #tpu.memory_space<vmem_shared>>
        tpu.wait_dma2 semaphore(%run_scoped3A : memref<!tpu.dma_semaphore, #tpu.memory_space<semaphore_mem>>) src(%dma_wait3A_32 : memref<16x128xf32, #tpu.memory_space<vmem_shared>>) dst(%dma_wait3A_29 : memref<16x128xf32, #tpu.memory_space<hbm>>)
        tpu.yield
      }) : () -> ()
    } else {
    }
    return
  }
}

#map = affine_map<(d0, d1) -> (0, 0)>
#map1 = affine_map<(d0, d1) -> (0)>
module attributes {stable_mosaic.version = 14 : i64} {
  func.func @gin_edge_agg_sc(%arg0: i32, %arg1: i32, %arg2: memref<10000x128xf32, #tpu.memory_space<hbm>>, %arg3: memref<320000xi32, #tpu.memory_space<hbm>>, %arg4: memref<320000xi32, #tpu.memory_space<hbm>>, %arg5: memref<20000x128xf32, #tpu.memory_space<hbm>>, %arg6: memref<80xi32, #tpu.memory_space<vmem>>, %arg7: memref<80x128xf32, #tpu.memory_space<vmem>>, %arg8: memref<80xi32, #tpu.memory_space<vmem>>, %arg9: memref<10000x128xf32, #tpu.memory_space<vmem_shared>>, %arg10: memref<!tpu.dma_semaphore, #tpu.memory_space<semaphore_mem>>) attributes {dimension_semantics = [#tpu.dimension_semantics<core_parallel>, #tpu.dimension_semantics<subcore_parallel>], iteration_bounds = array<i64: 2, 16>, scalar_prefetch = 0 : i64, scratch_operands = 5 : i64, tpu.core_type = #tpu.core_type<sc_vector_subcore>, window_params = [{transform_indices = #map}, {transform_indices = #map1}, {transform_indices = #map1}, {transform_indices = #map}]} {
    %mul3A = arith.constant 624 : i32
    %mul3A_0 = arith.muli %arg1, %mul3A : i32
    "tpu.region"() ({
      %run_scoped3A = tpu.sem_alloc : memref<!tpu.dma_semaphore, #tpu.memory_space<semaphore_mem>>
      %dma_start3A = arith.constant 0 : i32
      %dma_start3A_21 = tpu.memref_slice %arg9[%mul3A_0, %dma_start3A] : memref<10000x128xf32, #tpu.memory_space<vmem_shared>> -> memref<624x128xf32, #tpu.memory_space<vmem_shared>>
      %dma_start3A_22 = arith.constant 0 : i32
      %dma_start3A_23 = tpu.memref_slice %arg2[%mul3A_0, %dma_start3A_22] : memref<10000x128xf32, #tpu.memory_space<hbm>> -> memref<624x128xf32, #tpu.memory_space<hbm>>
      tpu.enqueue_dma source(%dma_start3A_23 : memref<624x128xf32, #tpu.memory_space<hbm>>) target(%dma_start3A_21 : memref<624x128xf32, #tpu.memory_space<vmem_shared>>) target_semaphore(%run_scoped3A : memref<!tpu.dma_semaphore, #tpu.memory_space<semaphore_mem>>)
      %dma_wait3A = arith.constant 0 : i32
      %dma_wait3A_24 = tpu.memref_slice %arg9[%mul3A_0, %dma_wait3A] : memref<10000x128xf32, #tpu.memory_space<vmem_shared>> -> memref<624x128xf32, #tpu.memory_space<vmem_shared>>
      %dma_wait3A_25 = arith.constant 0 : i32
      %dma_wait3A_26 = tpu.memref_slice %arg2[%mul3A_0, %dma_wait3A_25] : memref<10000x128xf32, #tpu.memory_space<hbm>> -> memref<624x128xf32, #tpu.memory_space<hbm>>
      tpu.wait_dma2 semaphore(%run_scoped3A : memref<!tpu.dma_semaphore, #tpu.memory_space<semaphore_mem>>) src(%dma_wait3A_26 : memref<624x128xf32, #tpu.memory_space<hbm>>) dst(%dma_wait3A_24 : memref<624x128xf32, #tpu.memory_space<vmem_shared>>)
      tpu.yield
    }) : () -> ()
    %eq3A = arith.constant 15 : i32
    %eq3A_1 = arith.cmpi eq, %arg1, %eq3A : i32
    %convert_element_type3A = arith.extui %eq3A_1 : i1 to i32
    %cond3A = arith.constant 0 : i32
    %cond3A_2 = arith.cmpi ne, %convert_element_type3A, %cond3A : i32
    scf.if %cond3A_2 {
      "tpu.region"() ({
        %run_scoped3A = tpu.sem_alloc : memref<!tpu.dma_semaphore, #tpu.memory_space<semaphore_mem>>
        %dma_start3A = arith.constant 9984 : i32
        %dma_start3A_21 = arith.constant 0 : i32
        %dma_start3A_22 = tpu.memref_slice %arg9[%dma_start3A, %dma_start3A_21] : memref<10000x128xf32, #tpu.memory_space<vmem_shared>> -> memref<16x128xf32, #tpu.memory_space<vmem_shared>>
        %dma_start3A_23 = arith.constant 9984 : i32
        %dma_start3A_24 = arith.constant 0 : i32
        %dma_start3A_25 = tpu.memref_slice %arg2[%dma_start3A_23, %dma_start3A_24] : memref<10000x128xf32, #tpu.memory_space<hbm>> -> memref<16x128xf32, #tpu.memory_space<hbm>>
        tpu.enqueue_dma source(%dma_start3A_25 : memref<16x128xf32, #tpu.memory_space<hbm>>) target(%dma_start3A_22 : memref<16x128xf32, #tpu.memory_space<vmem_shared>>) target_semaphore(%run_scoped3A : memref<!tpu.dma_semaphore, #tpu.memory_space<semaphore_mem>>)
        %dma_wait3A = arith.constant 9984 : i32
        %dma_wait3A_26 = arith.constant 0 : i32
        %dma_wait3A_27 = tpu.memref_slice %arg9[%dma_wait3A, %dma_wait3A_26] : memref<10000x128xf32, #tpu.memory_space<vmem_shared>> -> memref<16x128xf32, #tpu.memory_space<vmem_shared>>
        %dma_wait3A_28 = arith.constant 9984 : i32
        %dma_wait3A_29 = arith.constant 0 : i32
        %dma_wait3A_30 = tpu.memref_slice %arg2[%dma_wait3A_28, %dma_wait3A_29] : memref<10000x128xf32, #tpu.memory_space<hbm>> -> memref<16x128xf32, #tpu.memory_space<hbm>>
        tpu.wait_dma2 semaphore(%run_scoped3A : memref<!tpu.dma_semaphore, #tpu.memory_space<semaphore_mem>>) src(%dma_wait3A_30 : memref<16x128xf32, #tpu.memory_space<hbm>>) dst(%dma_wait3A_27 : memref<16x128xf32, #tpu.memory_space<vmem_shared>>)
        tpu.yield
      }) : () -> ()
    } else {
    }
    %barrier3A = arith.constant 0 : index
    tpu.barrier barrier_id(%barrier3A)
    %mul3A_3 = arith.constant 16 : i32
    %mul3A_4 = arith.muli %arg0, %mul3A_3 : i32
    %add3A = arith.addi %mul3A_4, %arg1 : i32
    %mul3A_5 = arith.constant 10000 : i32
    %mul3A_6 = arith.muli %add3A, %mul3A_5 : i32
    %scan3A = arith.constant 0 : i32
    %scan3A_7 = arith.constant 0 : i32
    %scan3A_8 = arith.constant 125 : i32
    %scan3A_9 = arith.addi %scan3A_7, %scan3A_8 : i32
    %scan3A_10 = arith.constant 1 : i32
    scf.for %scan3A_21 = %scan3A_7 to %scan3A_9 step %scan3A_10  : i32 {
      %mul3A_22 = arith.constant 80 : i32
      %mul3A_23 = arith.muli %scan3A_21, %mul3A_22 : i32
      %add3A_24 = arith.addi %mul3A_6, %mul3A_23 : i32
      "tpu.region"() ({
        %run_scoped3A = tpu.sem_alloc : memref<!tpu.dma_semaphore, #tpu.memory_space<semaphore_mem>>
        %dma_start3A_29 = tpu.memref_slice %arg3[%add3A_24] : memref<320000xi32, #tpu.memory_space<hbm>> -> memref<80xi32, #tpu.memory_space<hbm>>
        %dma_start3A_30 = tpu.memref_slice %arg3[%add3A_24] : memref<320000xi32, #tpu.memory_space<hbm>> -> memref<80xi32, #tpu.memory_space<hbm>>
        tpu.enqueue_dma source(%dma_start3A_30 : memref<80xi32, #tpu.memory_space<hbm>>) target(%arg6 : memref<80xi32, #tpu.memory_space<vmem>>) target_semaphore(%run_scoped3A : memref<!tpu.dma_semaphore, #tpu.memory_space<semaphore_mem>>)
        %dma_wait3A_31 = tpu.memref_slice %arg3[%add3A_24] : memref<320000xi32, #tpu.memory_space<hbm>> -> memref<80xi32, #tpu.memory_space<hbm>>
        %dma_wait3A_32 = tpu.memref_slice %arg3[%add3A_24] : memref<320000xi32, #tpu.memory_space<hbm>> -> memref<80xi32, #tpu.memory_space<hbm>>
        tpu.wait_dma2 semaphore(%run_scoped3A : memref<!tpu.dma_semaphore, #tpu.memory_space<semaphore_mem>>) src(%dma_wait3A_32 : memref<80xi32, #tpu.memory_space<hbm>>) dst(%arg6 : memref<80xi32, #tpu.memory_space<vmem>>)
        tpu.yield
      }) : () -> ()
      %dma_start3A = arith.constant 0 : i32
      %dma_start3A_25 = arith.constant 0 : i32
      %dma_start3A_26 = tpu.memref_slice %arg2[%dma_start3A, %dma_start3A_25] : memref<10000x128xf32, #tpu.memory_space<hbm>> -> memref<10000x128xf32, #tpu.memory_space<hbm>>
      tpu.enqueue_indirect_dma source(%dma_start3A_26 : memref<10000x128xf32, #tpu.memory_space<hbm>>) target(%arg7 : memref<80x128xf32, #tpu.memory_space<vmem>>) offsets(%arg6 : memref<80xi32, #tpu.memory_space<vmem>>) semaphore(%arg10 : memref<!tpu.dma_semaphore, #tpu.memory_space<semaphore_mem>>)
      %dma_wait3A = arith.constant 0 : i32
      %dma_wait3A_27 = arith.constant 0 : i32
      %dma_wait3A_28 = tpu.memref_slice %arg2[%dma_wait3A, %dma_wait3A_27] : memref<10000x128xf32, #tpu.memory_space<hbm>> -> memref<10000x128xf32, #tpu.memory_space<hbm>>
      tpu.wait_indirect_dma semaphore(%arg10 : memref<!tpu.dma_semaphore, #tpu.memory_space<semaphore_mem>>) src(%dma_wait3A_28 : memref<10000x128xf32, #tpu.memory_space<hbm>>) dst(%arg7 : memref<80x128xf32, #tpu.memory_space<vmem>>)
      "tpu.region"() ({
        %run_scoped3A = tpu.sem_alloc : memref<!tpu.dma_semaphore, #tpu.memory_space<semaphore_mem>>
        %dma_start3A_29 = tpu.memref_slice %arg4[%add3A_24] : memref<320000xi32, #tpu.memory_space<hbm>> -> memref<80xi32, #tpu.memory_space<hbm>>
        %dma_start3A_30 = tpu.memref_slice %arg4[%add3A_24] : memref<320000xi32, #tpu.memory_space<hbm>> -> memref<80xi32, #tpu.memory_space<hbm>>
        tpu.enqueue_dma source(%dma_start3A_30 : memref<80xi32, #tpu.memory_space<hbm>>) target(%arg8 : memref<80xi32, #tpu.memory_space<vmem>>) target_semaphore(%run_scoped3A : memref<!tpu.dma_semaphore, #tpu.memory_space<semaphore_mem>>)
        %dma_wait3A_31 = tpu.memref_slice %arg4[%add3A_24] : memref<320000xi32, #tpu.memory_space<hbm>> -> memref<80xi32, #tpu.memory_space<hbm>>
        %dma_wait3A_32 = tpu.memref_slice %arg4[%add3A_24] : memref<320000xi32, #tpu.memory_space<hbm>> -> memref<80xi32, #tpu.memory_space<hbm>>
        tpu.wait_dma2 semaphore(%run_scoped3A : memref<!tpu.dma_semaphore, #tpu.memory_space<semaphore_mem>>) src(%dma_wait3A_32 : memref<80xi32, #tpu.memory_space<hbm>>) dst(%arg8 : memref<80xi32, #tpu.memory_space<vmem>>)
        tpu.yield
      }) : () -> ()
      "tpu.region"() ({
        %run_scoped3A = tpu.sem_alloc : memref<!tpu.dma_semaphore, #tpu.memory_space<semaphore_mem>>
        %dma_start3A_29 = arith.constant 0 : i32
        %dma_start3A_30 = arith.constant 0 : i32
        %dma_start3A_31 = tpu.memref_slice %arg9[%dma_start3A_29, %dma_start3A_30] : memref<10000x128xf32, #tpu.memory_space<vmem_shared>> -> memref<10000x128xf32, #tpu.memory_space<vmem_shared>>
        tpu.enqueue_indirect_dma source(%arg7 : memref<80x128xf32, #tpu.memory_space<vmem>>) target(%dma_start3A_31 : memref<10000x128xf32, #tpu.memory_space<vmem_shared>>) offsets(%arg8 : memref<80xi32, #tpu.memory_space<vmem>>) semaphore(%run_scoped3A : memref<!tpu.dma_semaphore, #tpu.memory_space<semaphore_mem>>) {add = true}
        %dma_wait3A_32 = arith.constant 0 : i32
        %dma_wait3A_33 = arith.constant 0 : i32
        %dma_wait3A_34 = tpu.memref_slice %arg9[%dma_wait3A_32, %dma_wait3A_33] : memref<10000x128xf32, #tpu.memory_space<vmem_shared>> -> memref<10000x128xf32, #tpu.memory_space<vmem_shared>>
        tpu.wait_indirect_dma semaphore(%run_scoped3A : memref<!tpu.dma_semaphore, #tpu.memory_space<semaphore_mem>>) src(%arg7 : memref<80x128xf32, #tpu.memory_space<vmem>>) dst(%dma_wait3A_34 : memref<10000x128xf32, #tpu.memory_space<vmem_shared>>)
        tpu.yield
      }) : () -> ()
    }
    %scan3A_11 = arith.constant 125 : i32
    %barrier3A_12 = arith.constant 0 : index
    tpu.barrier barrier_id(%barrier3A_12)
    %mul3A_13 = arith.constant 10000 : i32
    %mul3A_14 = arith.muli %arg0, %mul3A_13 : i32
    %add3A_15 = arith.addi %mul3A_14, %mul3A_0 : i32
    "tpu.region"() ({
      %run_scoped3A = tpu.sem_alloc : memref<!tpu.dma_semaphore, #tpu.memory_space<semaphore_mem>>
      %dma_start3A = arith.constant 0 : i32
      %dma_start3A_21 = tpu.memref_slice %arg5[%add3A_15, %dma_start3A] : memref<20000x128xf32, #tpu.memory_space<hbm>> -> memref<624x128xf32, #tpu.memory_space<hbm>>
      %dma_start3A_22 = arith.constant 0 : i32
      %dma_start3A_23 = tpu.memref_slice %arg9[%mul3A_0, %dma_start3A_22] : memref<10000x128xf32, #tpu.memory_space<vmem_shared>> -> memref<624x128xf32, #tpu.memory_space<vmem_shared>>
      tpu.enqueue_dma source(%dma_start3A_23 : memref<624x128xf32, #tpu.memory_space<vmem_shared>>) target(%dma_start3A_21 : memref<624x128xf32, #tpu.memory_space<hbm>>) target_semaphore(%run_scoped3A : memref<!tpu.dma_semaphore, #tpu.memory_space<semaphore_mem>>)
      %dma_wait3A = arith.constant 0 : i32
      %dma_wait3A_24 = tpu.memref_slice %arg5[%add3A_15, %dma_wait3A] : memref<20000x128xf32, #tpu.memory_space<hbm>> -> memref<624x128xf32, #tpu.memory_space<hbm>>
      %dma_wait3A_25 = arith.constant 0 : i32
      %dma_wait3A_26 = tpu.memref_slice %arg9[%mul3A_0, %dma_wait3A_25] : memref<10000x128xf32, #tpu.memory_space<vmem_shared>> -> memref<624x128xf32, #tpu.memory_space<vmem_shared>>
      tpu.wait_dma2 semaphore(%run_scoped3A : memref<!tpu.dma_semaphore, #tpu.memory_space<semaphore_mem>>) src(%dma_wait3A_26 : memref<624x128xf32, #tpu.memory_space<vmem_shared>>) dst(%dma_wait3A_24 : memref<624x128xf32, #tpu.memory_space<hbm>>)
      tpu.yield
    }) : () -> ()
    %eq3A_16 = arith.constant 15 : i32
    %eq3A_17 = arith.cmpi eq, %arg1, %eq3A_16 : i32
    %convert_element_type3A_18 = arith.extui %eq3A_17 : i1 to i32
    %cond3A_19 = arith.constant 0 : i32
    %cond3A_20 = arith.cmpi ne, %convert_element_type3A_18, %cond3A_19 : i32
    scf.if %cond3A_20 {
      %mul3A_21 = arith.constant 10000 : i32
      %mul3A_22 = arith.muli %arg0, %mul3A_21 : i32
      %add3A_23 = arith.constant 9984 : i32
      %add3A_24 = arith.addi %mul3A_22, %add3A_23 : i32
      "tpu.region"() ({
        %run_scoped3A = tpu.sem_alloc : memref<!tpu.dma_semaphore, #tpu.memory_space<semaphore_mem>>
        %dma_start3A = arith.constant 0 : i32
        %dma_start3A_25 = tpu.memref_slice %arg5[%add3A_24, %dma_start3A] : memref<20000x128xf32, #tpu.memory_space<hbm>> -> memref<16x128xf32, #tpu.memory_space<hbm>>
        %dma_start3A_26 = arith.constant 9984 : i32
        %dma_start3A_27 = arith.constant 0 : i32
        %dma_start3A_28 = tpu.memref_slice %arg9[%dma_start3A_26, %dma_start3A_27] : memref<10000x128xf32, #tpu.memory_space<vmem_shared>> -> memref<16x128xf32, #tpu.memory_space<vmem_shared>>
        tpu.enqueue_dma source(%dma_start3A_28 : memref<16x128xf32, #tpu.memory_space<vmem_shared>>) target(%dma_start3A_25 : memref<16x128xf32, #tpu.memory_space<hbm>>) target_semaphore(%run_scoped3A : memref<!tpu.dma_semaphore, #tpu.memory_space<semaphore_mem>>)
        %dma_wait3A = arith.constant 0 : i32
        %dma_wait3A_29 = tpu.memref_slice %arg5[%add3A_24, %dma_wait3A] : memref<20000x128xf32, #tpu.memory_space<hbm>> -> memref<16x128xf32, #tpu.memory_space<hbm>>
        %dma_wait3A_30 = arith.constant 9984 : i32
        %dma_wait3A_31 = arith.constant 0 : i32
        %dma_wait3A_32 = tpu.memref_slice %arg9[%dma_wait3A_30, %dma_wait3A_31] : memref<10000x128xf32, #tpu.memory_space<vmem_shared>> -> memref<16x128xf32, #tpu.memory_space<vmem_shared>>
        tpu.wait_dma2 semaphore(%run_scoped3A : memref<!tpu.dma_semaphore, #tpu.memory_space<semaphore_mem>>) src(%dma_wait3A_32 : memref<16x128xf32, #tpu.memory_space<vmem_shared>>) dst(%dma_wait3A_29 : memref<16x128xf32, #tpu.memory_space<hbm>>)
        tpu.yield
      }) : () -> ()
    } else {
    }
    return
  }
}

#map = affine_map<(d0, d1) -> (0, 0)>
#map1 = affine_map<(d0, d1) -> (0)>
module attributes {stable_mosaic.version = 14 : i64} {
  func.func @gin_edge_agg_sc(%arg0: i32, %arg1: i32, %arg2: memref<10000x128xf32, #tpu.memory_space<hbm>>, %arg3: memref<320000xi32, #tpu.memory_space<hbm>>, %arg4: memref<320000xi32, #tpu.memory_space<hbm>>, %arg5: memref<20000x128xf32, #tpu.memory_space<hbm>>, %arg6: memref<80xi32, #tpu.memory_space<vmem>>, %arg7: memref<80x128xf32, #tpu.memory_space<vmem>>, %arg8: memref<80xi32, #tpu.memory_space<vmem>>, %arg9: memref<10000x128xf32, #tpu.memory_space<vmem_shared>>, %arg10: memref<!tpu.dma_semaphore, #tpu.memory_space<semaphore_mem>>) attributes {dimension_semantics = [#tpu.dimension_semantics<core_parallel>, #tpu.dimension_semantics<subcore_parallel>], iteration_bounds = array<i64: 2, 16>, scalar_prefetch = 0 : i64, scratch_operands = 5 : i64, tpu.core_type = #tpu.core_type<sc_vector_subcore>, window_params = [{transform_indices = #map}, {transform_indices = #map1}, {transform_indices = #map1}, {transform_indices = #map}]} {
    %mul3A = arith.constant 624 : i32
    %mul3A_0 = arith.muli %arg1, %mul3A : i32
    "tpu.region"() ({
      %run_scoped3A = tpu.sem_alloc : memref<!tpu.dma_semaphore, #tpu.memory_space<semaphore_mem>>
      %dma_start3A = arith.constant 0 : i32
      %dma_start3A_21 = tpu.memref_slice %arg9[%mul3A_0, %dma_start3A] : memref<10000x128xf32, #tpu.memory_space<vmem_shared>> -> memref<624x128xf32, #tpu.memory_space<vmem_shared>>
      %dma_start3A_22 = arith.constant 0 : i32
      %dma_start3A_23 = tpu.memref_slice %arg2[%mul3A_0, %dma_start3A_22] : memref<10000x128xf32, #tpu.memory_space<hbm>> -> memref<624x128xf32, #tpu.memory_space<hbm>>
      tpu.enqueue_dma source(%dma_start3A_23 : memref<624x128xf32, #tpu.memory_space<hbm>>) target(%dma_start3A_21 : memref<624x128xf32, #tpu.memory_space<vmem_shared>>) target_semaphore(%run_scoped3A : memref<!tpu.dma_semaphore, #tpu.memory_space<semaphore_mem>>)
      %dma_wait3A = arith.constant 0 : i32
      %dma_wait3A_24 = tpu.memref_slice %arg9[%mul3A_0, %dma_wait3A] : memref<10000x128xf32, #tpu.memory_space<vmem_shared>> -> memref<624x128xf32, #tpu.memory_space<vmem_shared>>
      %dma_wait3A_25 = arith.constant 0 : i32
      %dma_wait3A_26 = tpu.memref_slice %arg2[%mul3A_0, %dma_wait3A_25] : memref<10000x128xf32, #tpu.memory_space<hbm>> -> memref<624x128xf32, #tpu.memory_space<hbm>>
      tpu.wait_dma2 semaphore(%run_scoped3A : memref<!tpu.dma_semaphore, #tpu.memory_space<semaphore_mem>>) src(%dma_wait3A_26 : memref<624x128xf32, #tpu.memory_space<hbm>>) dst(%dma_wait3A_24 : memref<624x128xf32, #tpu.memory_space<vmem_shared>>)
      tpu.yield
    }) : () -> ()
    %eq3A = arith.constant 15 : i32
    %eq3A_1 = arith.cmpi eq, %arg1, %eq3A : i32
    %convert_element_type3A = arith.extui %eq3A_1 : i1 to i32
    %cond3A = arith.constant 0 : i32
    %cond3A_2 = arith.cmpi ne, %convert_element_type3A, %cond3A : i32
    scf.if %cond3A_2 {
      "tpu.region"() ({
        %run_scoped3A = tpu.sem_alloc : memref<!tpu.dma_semaphore, #tpu.memory_space<semaphore_mem>>
        %dma_start3A = arith.constant 9984 : i32
        %dma_start3A_21 = arith.constant 0 : i32
        %dma_start3A_22 = tpu.memref_slice %arg9[%dma_start3A, %dma_start3A_21] : memref<10000x128xf32, #tpu.memory_space<vmem_shared>> -> memref<16x128xf32, #tpu.memory_space<vmem_shared>>
        %dma_start3A_23 = arith.constant 9984 : i32
        %dma_start3A_24 = arith.constant 0 : i32
        %dma_start3A_25 = tpu.memref_slice %arg2[%dma_start3A_23, %dma_start3A_24] : memref<10000x128xf32, #tpu.memory_space<hbm>> -> memref<16x128xf32, #tpu.memory_space<hbm>>
        tpu.enqueue_dma source(%dma_start3A_25 : memref<16x128xf32, #tpu.memory_space<hbm>>) target(%dma_start3A_22 : memref<16x128xf32, #tpu.memory_space<vmem_shared>>) target_semaphore(%run_scoped3A : memref<!tpu.dma_semaphore, #tpu.memory_space<semaphore_mem>>)
        %dma_wait3A = arith.constant 9984 : i32
        %dma_wait3A_26 = arith.constant 0 : i32
        %dma_wait3A_27 = tpu.memref_slice %arg9[%dma_wait3A, %dma_wait3A_26] : memref<10000x128xf32, #tpu.memory_space<vmem_shared>> -> memref<16x128xf32, #tpu.memory_space<vmem_shared>>
        %dma_wait3A_28 = arith.constant 9984 : i32
        %dma_wait3A_29 = arith.constant 0 : i32
        %dma_wait3A_30 = tpu.memref_slice %arg2[%dma_wait3A_28, %dma_wait3A_29] : memref<10000x128xf32, #tpu.memory_space<hbm>> -> memref<16x128xf32, #tpu.memory_space<hbm>>
        tpu.wait_dma2 semaphore(%run_scoped3A : memref<!tpu.dma_semaphore, #tpu.memory_space<semaphore_mem>>) src(%dma_wait3A_30 : memref<16x128xf32, #tpu.memory_space<hbm>>) dst(%dma_wait3A_27 : memref<16x128xf32, #tpu.memory_space<vmem_shared>>)
        tpu.yield
      }) : () -> ()
    } else {
    }
    %barrier3A = arith.constant 0 : index
    tpu.barrier barrier_id(%barrier3A)
    %mul3A_3 = arith.constant 16 : i32
    %mul3A_4 = arith.muli %arg0, %mul3A_3 : i32
    %add3A = arith.addi %mul3A_4, %arg1 : i32
    %mul3A_5 = arith.constant 10000 : i32
    %mul3A_6 = arith.muli %add3A, %mul3A_5 : i32
    %scan3A = arith.constant 0 : i32
    %scan3A_7 = arith.constant 0 : i32
    %scan3A_8 = arith.constant 125 : i32
    %scan3A_9 = arith.addi %scan3A_7, %scan3A_8 : i32
    %scan3A_10 = arith.constant 1 : i32
    scf.for %scan3A_21 = %scan3A_7 to %scan3A_9 step %scan3A_10  : i32 {
      %mul3A_22 = arith.constant 80 : i32
      %mul3A_23 = arith.muli %scan3A_21, %mul3A_22 : i32
      %add3A_24 = arith.addi %mul3A_6, %mul3A_23 : i32
      "tpu.region"() ({
        %run_scoped3A = tpu.sem_alloc : memref<!tpu.dma_semaphore, #tpu.memory_space<semaphore_mem>>
        %dma_start3A_29 = tpu.memref_slice %arg3[%add3A_24] : memref<320000xi32, #tpu.memory_space<hbm>> -> memref<80xi32, #tpu.memory_space<hbm>>
        %dma_start3A_30 = tpu.memref_slice %arg3[%add3A_24] : memref<320000xi32, #tpu.memory_space<hbm>> -> memref<80xi32, #tpu.memory_space<hbm>>
        tpu.enqueue_dma source(%dma_start3A_30 : memref<80xi32, #tpu.memory_space<hbm>>) target(%arg6 : memref<80xi32, #tpu.memory_space<vmem>>) target_semaphore(%run_scoped3A : memref<!tpu.dma_semaphore, #tpu.memory_space<semaphore_mem>>)
        %dma_wait3A_31 = tpu.memref_slice %arg3[%add3A_24] : memref<320000xi32, #tpu.memory_space<hbm>> -> memref<80xi32, #tpu.memory_space<hbm>>
        %dma_wait3A_32 = tpu.memref_slice %arg3[%add3A_24] : memref<320000xi32, #tpu.memory_space<hbm>> -> memref<80xi32, #tpu.memory_space<hbm>>
        tpu.wait_dma2 semaphore(%run_scoped3A : memref<!tpu.dma_semaphore, #tpu.memory_space<semaphore_mem>>) src(%dma_wait3A_32 : memref<80xi32, #tpu.memory_space<hbm>>) dst(%arg6 : memref<80xi32, #tpu.memory_space<vmem>>)
        tpu.yield
      }) : () -> ()
      %dma_start3A = arith.constant 0 : i32
      %dma_start3A_25 = arith.constant 0 : i32
      %dma_start3A_26 = tpu.memref_slice %arg2[%dma_start3A, %dma_start3A_25] : memref<10000x128xf32, #tpu.memory_space<hbm>> -> memref<10000x128xf32, #tpu.memory_space<hbm>>
      tpu.enqueue_indirect_dma source(%dma_start3A_26 : memref<10000x128xf32, #tpu.memory_space<hbm>>) target(%arg7 : memref<80x128xf32, #tpu.memory_space<vmem>>) offsets(%arg6 : memref<80xi32, #tpu.memory_space<vmem>>) semaphore(%arg10 : memref<!tpu.dma_semaphore, #tpu.memory_space<semaphore_mem>>)
      %dma_wait3A = arith.constant 0 : i32
      %dma_wait3A_27 = arith.constant 0 : i32
      %dma_wait3A_28 = tpu.memref_slice %arg2[%dma_wait3A, %dma_wait3A_27] : memref<10000x128xf32, #tpu.memory_space<hbm>> -> memref<10000x128xf32, #tpu.memory_space<hbm>>
      tpu.wait_indirect_dma semaphore(%arg10 : memref<!tpu.dma_semaphore, #tpu.memory_space<semaphore_mem>>) src(%dma_wait3A_28 : memref<10000x128xf32, #tpu.memory_space<hbm>>) dst(%arg7 : memref<80x128xf32, #tpu.memory_space<vmem>>)
      "tpu.region"() ({
        %run_scoped3A = tpu.sem_alloc : memref<!tpu.dma_semaphore, #tpu.memory_space<semaphore_mem>>
        %dma_start3A_29 = tpu.memref_slice %arg4[%add3A_24] : memref<320000xi32, #tpu.memory_space<hbm>> -> memref<80xi32, #tpu.memory_space<hbm>>
        %dma_start3A_30 = tpu.memref_slice %arg4[%add3A_24] : memref<320000xi32, #tpu.memory_space<hbm>> -> memref<80xi32, #tpu.memory_space<hbm>>
        tpu.enqueue_dma source(%dma_start3A_30 : memref<80xi32, #tpu.memory_space<hbm>>) target(%arg8 : memref<80xi32, #tpu.memory_space<vmem>>) target_semaphore(%run_scoped3A : memref<!tpu.dma_semaphore, #tpu.memory_space<semaphore_mem>>)
        %dma_wait3A_31 = tpu.memref_slice %arg4[%add3A_24] : memref<320000xi32, #tpu.memory_space<hbm>> -> memref<80xi32, #tpu.memory_space<hbm>>
        %dma_wait3A_32 = tpu.memref_slice %arg4[%add3A_24] : memref<320000xi32, #tpu.memory_space<hbm>> -> memref<80xi32, #tpu.memory_space<hbm>>
        tpu.wait_dma2 semaphore(%run_scoped3A : memref<!tpu.dma_semaphore, #tpu.memory_space<semaphore_mem>>) src(%dma_wait3A_32 : memref<80xi32, #tpu.memory_space<hbm>>) dst(%arg8 : memref<80xi32, #tpu.memory_space<vmem>>)
        tpu.yield
      }) : () -> ()
      "tpu.region"() ({
        %run_scoped3A = tpu.sem_alloc : memref<!tpu.dma_semaphore, #tpu.memory_space<semaphore_mem>>
        %dma_start3A_29 = arith.constant 0 : i32
        %dma_start3A_30 = arith.constant 0 : i32
        %dma_start3A_31 = tpu.memref_slice %arg9[%dma_start3A_29, %dma_start3A_30] : memref<10000x128xf32, #tpu.memory_space<vmem_shared>> -> memref<10000x128xf32, #tpu.memory_space<vmem_shared>>
        tpu.enqueue_indirect_dma source(%arg7 : memref<80x128xf32, #tpu.memory_space<vmem>>) target(%dma_start3A_31 : memref<10000x128xf32, #tpu.memory_space<vmem_shared>>) offsets(%arg8 : memref<80xi32, #tpu.memory_space<vmem>>) semaphore(%run_scoped3A : memref<!tpu.dma_semaphore, #tpu.memory_space<semaphore_mem>>) {add = true}
        %dma_wait3A_32 = arith.constant 0 : i32
        %dma_wait3A_33 = arith.constant 0 : i32
        %dma_wait3A_34 = tpu.memref_slice %arg9[%dma_wait3A_32, %dma_wait3A_33] : memref<10000x128xf32, #tpu.memory_space<vmem_shared>> -> memref<10000x128xf32, #tpu.memory_space<vmem_shared>>
        tpu.wait_indirect_dma semaphore(%run_scoped3A : memref<!tpu.dma_semaphore, #tpu.memory_space<semaphore_mem>>) src(%arg7 : memref<80x128xf32, #tpu.memory_space<vmem>>) dst(%dma_wait3A_34 : memref<10000x128xf32, #tpu.memory_space<vmem_shared>>)
        tpu.yield
      }) : () -> ()
    }
    %scan3A_11 = arith.constant 125 : i32
    %barrier3A_12 = arith.constant 0 : index
    tpu.barrier barrier_id(%barrier3A_12)
    %mul3A_13 = arith.constant 10000 : i32
    %mul3A_14 = arith.muli %arg0, %mul3A_13 : i32
    %add3A_15 = arith.addi %mul3A_14, %mul3A_0 : i32
    "tpu.region"() ({
      %run_scoped3A = tpu.sem_alloc : memref<!tpu.dma_semaphore, #tpu.memory_space<semaphore_mem>>
      %dma_start3A = arith.constant 0 : i32
      %dma_start3A_21 = tpu.memref_slice %arg5[%add3A_15, %dma_start3A] : memref<20000x128xf32, #tpu.memory_space<hbm>> -> memref<624x128xf32, #tpu.memory_space<hbm>>
      %dma_start3A_22 = arith.constant 0 : i32
      %dma_start3A_23 = tpu.memref_slice %arg9[%mul3A_0, %dma_start3A_22] : memref<10000x128xf32, #tpu.memory_space<vmem_shared>> -> memref<624x128xf32, #tpu.memory_space<vmem_shared>>
      tpu.enqueue_dma source(%dma_start3A_23 : memref<624x128xf32, #tpu.memory_space<vmem_shared>>) target(%dma_start3A_21 : memref<624x128xf32, #tpu.memory_space<hbm>>) target_semaphore(%run_scoped3A : memref<!tpu.dma_semaphore, #tpu.memory_space<semaphore_mem>>)
      %dma_wait3A = arith.constant 0 : i32
      %dma_wait3A_24 = tpu.memref_slice %arg5[%add3A_15, %dma_wait3A] : memref<20000x128xf32, #tpu.memory_space<hbm>> -> memref<624x128xf32, #tpu.memory_space<hbm>>
      %dma_wait3A_25 = arith.constant 0 : i32
      %dma_wait3A_26 = tpu.memref_slice %arg9[%mul3A_0, %dma_wait3A_25] : memref<10000x128xf32, #tpu.memory_space<vmem_shared>> -> memref<624x128xf32, #tpu.memory_space<vmem_shared>>
      tpu.wait_dma2 semaphore(%run_scoped3A : memref<!tpu.dma_semaphore, #tpu.memory_space<semaphore_mem>>) src(%dma_wait3A_26 : memref<624x128xf32, #tpu.memory_space<vmem_shared>>) dst(%dma_wait3A_24 : memref<624x128xf32, #tpu.memory_space<hbm>>)
      tpu.yield
    }) : () -> ()
    %eq3A_16 = arith.constant 15 : i32
    %eq3A_17 = arith.cmpi eq, %arg1, %eq3A_16 : i32
    %convert_element_type3A_18 = arith.extui %eq3A_17 : i1 to i32
    %cond3A_19 = arith.constant 0 : i32
    %cond3A_20 = arith.cmpi ne, %convert_element_type3A_18, %cond3A_19 : i32
    scf.if %cond3A_20 {
      %mul3A_21 = arith.constant 10000 : i32
      %mul3A_22 = arith.muli %arg0, %mul3A_21 : i32
      %add3A_23 = arith.constant 9984 : i32
      %add3A_24 = arith.addi %mul3A_22, %add3A_23 : i32
      "tpu.region"() ({
        %run_scoped3A = tpu.sem_alloc : memref<!tpu.dma_semaphore, #tpu.memory_space<semaphore_mem>>
        %dma_start3A = arith.constant 0 : i32
        %dma_start3A_25 = tpu.memref_slice %arg5[%add3A_24, %dma_start3A] : memref<20000x128xf32, #tpu.memory_space<hbm>> -> memref<16x128xf32, #tpu.memory_space<hbm>>
        %dma_start3A_26 = arith.constant 9984 : i32
        %dma_start3A_27 = arith.constant 0 : i32
        %dma_start3A_28 = tpu.memref_slice %arg9[%dma_start3A_26, %dma_start3A_27] : memref<10000x128xf32, #tpu.memory_space<vmem_shared>> -> memref<16x128xf32, #tpu.memory_space<vmem_shared>>
        tpu.enqueue_dma source(%dma_start3A_28 : memref<16x128xf32, #tpu.memory_space<vmem_shared>>) target(%dma_start3A_25 : memref<16x128xf32, #tpu.memory_space<hbm>>) target_semaphore(%run_scoped3A : memref<!tpu.dma_semaphore, #tpu.memory_space<semaphore_mem>>)
        %dma_wait3A = arith.constant 0 : i32
        %dma_wait3A_29 = tpu.memref_slice %arg5[%add3A_24, %dma_wait3A] : memref<20000x128xf32, #tpu.memory_space<hbm>> -> memref<16x128xf32, #tpu.memory_space<hbm>>
        %dma_wait3A_30 = arith.constant 9984 : i32
        %dma_wait3A_31 = arith.constant 0 : i32
        %dma_wait3A_32 = tpu.memref_slice %arg9[%dma_wait3A_30, %dma_wait3A_31] : memref<10000x128xf32, #tpu.memory_space<vmem_shared>> -> memref<16x128xf32, #tpu.memory_space<vmem_shared>>
        tpu.wait_dma2 semaphore(%run_scoped3A : memref<!tpu.dma_semaphore, #tpu.memory_space<semaphore_mem>>) src(%dma_wait3A_32 : memref<16x128xf32, #tpu.memory_space<vmem_shared>>) dst(%dma_wait3A_29 : memref<16x128xf32, #tpu.memory_space<hbm>>)
        tpu.yield
      }) : () -> ()
    } else {
    }
    return
  }
}

module attributes {stable_mosaic.version = 14 : i64} {
  func.func @gin_mlp_pool_tc(%arg0: i32, %arg1: memref<2000x128xf32, #tpu.memory_space<vmem>>, %arg2: memref<2000x128xf32, #tpu.memory_space<vmem>>, %arg3: memref<2000x128xf32, #tpu.memory_space<vmem>>, %arg4: memref<128x128xf32, #tpu.memory_space<vmem>>, %arg5: memref<1x128xf32, #tpu.memory_space<vmem>>, %arg6: memref<128x128xf32, #tpu.memory_space<vmem>>, %arg7: memref<1x128xf32, #tpu.memory_space<vmem>>, %arg8: memref<2000x1xi32, #tpu.memory_space<vmem>>, %arg9: memref<128x1xf32, #tpu.memory_space<vmem>>, %arg10: memref<1x1xf32, #tpu.memory_space<vmem>>, %arg11: memref<64x1xf32, #tpu.memory_space<vmem>>, %arg12: memref<64x128xf32, #tpu.memory_space<vmem>>, %arg13: memref<64x1xf32, #tpu.memory_space<vmem>>) attributes {dimension_semantics = [#tpu.dimension_semantics<arbitrary>], iteration_bounds = array<i64: 5>, scalar_prefetch = 0 : i64, scratch_operands = 2 : i64, tpu.core_type = #tpu.core_type<tc>, window_params = [{transform_indices = @transform_0, window_bounds = array<i64: 2000, 128>}, {transform_indices = @transform_1, window_bounds = array<i64: 2000, 128>}, {transform_indices = @transform_2, window_bounds = array<i64: 2000, 128>}, {pipeline_mode = #tpu.pipeline_mode<synchronous>, transform_indices = @transform_3, window_bounds = array<i64: 128, 128>}, {pipeline_mode = #tpu.pipeline_mode<synchronous>, transform_indices = @transform_4, window_bounds = array<i64: 1, 128>}, {pipeline_mode = #tpu.pipeline_mode<synchronous>, transform_indices = @transform_5, window_bounds = array<i64: 128, 128>}, {pipeline_mode = #tpu.pipeline_mode<synchronous>, transform_indices = @transform_6, window_bounds = array<i64: 1, 128>}, {transform_indices = @transform_7, window_bounds = array<i64: 2000, 1>}, {pipeline_mode = #tpu.pipeline_mode<synchronous>, transform_indices = @transform_8, window_bounds = array<i64: 128, 1>}, {pipeline_mode = #tpu.pipeline_mode<synchronous>, transform_indices = @transform_9, window_bounds = array<i64: 1, 1>}, {pipeline_mode = #tpu.pipeline_mode<synchronous>, transform_indices = @transform_10, window_bounds = array<i64: 64, 1>}]} {
    %get3A = arith.constant 0 : index
    %get3A_0 = arith.constant 0 : index
    %get3A_1 = vector.load %arg1[%get3A, %get3A_0] : memref<2000x128xf32, #tpu.memory_space<vmem>>, vector<2000x128xf32>
    %get3A_2 = arith.constant 0 : index
    %get3A_3 = arith.constant 0 : index
    %get3A_4 = vector.load %arg2[%get3A_2, %get3A_3] : memref<2000x128xf32, #tpu.memory_space<vmem>>, vector<2000x128xf32>
    %add3A = arith.addf %get3A_1, %get3A_4 : vector<2000x128xf32>
    %get3A_5 = arith.constant 0 : index
    %get3A_6 = arith.constant 0 : index
    %get3A_7 = vector.load %arg3[%get3A_5, %get3A_6] : memref<2000x128xf32, #tpu.memory_space<vmem>>, vector<2000x128xf32>
    %sub3A = arith.subf %add3A, %get3A_7 : vector<2000x128xf32>
    %get3A_8 = arith.constant 0 : index
    %get3A_9 = arith.constant 0 : index
    %get3A_10 = vector.load %arg4[%get3A_8, %get3A_9] : memref<128x128xf32, #tpu.memory_space<vmem>>, vector<128x128xf32>
    %dot_general3A = arith.constant dense<0.000000e+00> : vector<2000x128xf32>
    %dot_general3A_11 = tpu.matmul %sub3A, %get3A_10, %dot_general3A {dimension_numbers = #tpu.dot_dimension_numbers<[1], [0], [0], [1], [0, 0, 1, 1], [], []>, transpose_lhs_hint = false} : vector<2000x128xf32>, vector<128x128xf32>, vector<2000x128xf32> -> vector<2000x128xf32>
    %get3A_12 = arith.constant 0 : index
    %get3A_13 = arith.constant 0 : index
    %get3A_14 = vector.load %arg5[%get3A_12, %get3A_13] : memref<1x128xf32, #tpu.memory_space<vmem>>, vector<1x128xf32>
    %add3A_15 = vector.broadcast %get3A_14 : vector<1x128xf32> to vector<2000x128xf32>
    %add3A_16 = arith.addf %dot_general3A_11, %add3A_15 : vector<2000x128xf32>
    %max3A = arith.constant 0.000000e+00 : f32
    %max3A_17 = vector.broadcast %max3A : f32 to vector<2000x128xf32>
    %max3A_18 = arith.maximumf %add3A_16, %max3A_17 : vector<2000x128xf32>
    %get3A_19 = arith.constant 0 : index
    %get3A_20 = arith.constant 0 : index
    %get3A_21 = vector.load %arg6[%get3A_19, %get3A_20] : memref<128x128xf32, #tpu.memory_space<vmem>>, vector<128x128xf32>
    %dot_general3A_22 = arith.constant dense<0.000000e+00> : vector<2000x128xf32>
    %dot_general3A_23 = tpu.matmul %max3A_18, %get3A_21, %dot_general3A_22 {dimension_numbers = #tpu.dot_dimension_numbers<[1], [0], [0], [1], [0, 0, 1, 1], [], []>, transpose_lhs_hint = false} : vector<2000x128xf32>, vector<128x128xf32>, vector<2000x128xf32> -> vector<2000x128xf32>
    %get3A_24 = arith.constant 0 : index
    %get3A_25 = arith.constant 0 : index
    %get3A_26 = vector.load %arg7[%get3A_24, %get3A_25] : memref<1x128xf32, #tpu.memory_space<vmem>>, vector<1x128xf32>
    %add3A_27 = vector.broadcast %get3A_26 : vector<1x128xf32> to vector<2000x128xf32>
    %add3A_28 = arith.addf %dot_general3A_23, %add3A_27 : vector<2000x128xf32>
    %max3A_29 = arith.constant 0.000000e+00 : f32
    %max3A_30 = vector.broadcast %max3A_29 : f32 to vector<2000x128xf32>
    %max3A_31 = arith.maximumf %add3A_28, %max3A_30 : vector<2000x128xf32>
    %eq3A = arith.constant 0 : i32
    %eq3A_32 = arith.cmpi eq, %arg0, %eq3A : i32
    %convert_element_type3A = arith.extui %eq3A_32 : i1 to i32
    %cond3A = arith.constant 0 : i32
    %cond3A_33 = arith.cmpi ne, %convert_element_type3A, %cond3A : i32
    scf.if %cond3A_33 {
      %broadcast_in_dim3A_65 = arith.constant 0.000000e+00 : f32
      %broadcast_in_dim3A_66 = vector.broadcast %broadcast_in_dim3A_65 : f32 to vector<64x128xf32>
      %swap3A_67 = arith.constant 0 : index
      %swap3A_68 = arith.constant 0 : index
      %swap3A_69 = vector.load %arg12[%swap3A_67, %swap3A_68] : memref<64x128xf32, #tpu.memory_space<vmem>>, vector<64x128xf32>
      tpu.vector_store %arg12[%swap3A_67, %swap3A_68], %broadcast_in_dim3A_66 {strides = array<i32>} : memref<64x128xf32, #tpu.memory_space<vmem>>, vector<64x128xf32>,
      %broadcast_in_dim3A_70 = arith.constant 0.000000e+00 : f32
      %broadcast_in_dim3A_71 = vector.broadcast %broadcast_in_dim3A_70 : f32 to vector<64x1xf32>
      %swap3A_72 = arith.constant 0 : index
      %swap3A_73 = arith.constant 0 : index
      %swap3A_74 = vector.load %arg13[%swap3A_72, %swap3A_73] : memref<64x1xf32, #tpu.memory_space<vmem>>, vector<64x1xf32>
      tpu.vector_store %arg13[%swap3A_72, %swap3A_73], %broadcast_in_dim3A_71 {strides = array<i32>} : memref<64x1xf32, #tpu.memory_space<vmem>>, vector<64x1xf32>,
    } else {
    }
    %get3A_34 = arith.constant 0 : index
    %get3A_35 = arith.constant 0 : index
    %get3A_36 = vector.load %arg8[%get3A_34, %get3A_35] : memref<2000x1xi32, #tpu.memory_space<vmem>>, vector<2000x1xi32>
    %iota3A = tpu.iota {dimensions = array<i32: 1>} : vector<1x64xi32>
    %eq3A_37 = vector.broadcast %get3A_36 : vector<2000x1xi32> to vector<2000x64xi32>
    %eq3A_38 = vector.broadcast %iota3A : vector<1x64xi32> to vector<2000x64xi32>
    %eq3A_39 = arith.cmpi eq, %eq3A_37, %eq3A_38 : vector<2000x64xi32>
    %convert_element_type3A_40 = arith.extui %eq3A_39 : vector<2000x64xi1> to vector<2000x64xi32>
    %convert_element_type3A_41 = arith.sitofp %convert_element_type3A_40 : vector<2000x64xi32> to vector<2000x64xf32>
    %get3A_42 = arith.constant 0 : index
    %get3A_43 = arith.constant 0 : index
    %get3A_44 = vector.load %arg12[%get3A_42, %get3A_43] : memref<64x128xf32, #tpu.memory_space<vmem>>, vector<64x128xf32>
    %dot_general3A_45 = arith.constant dense<0.000000e+00> : vector<64x128xf32>
    %dot_general3A_46 = tpu.matmul %convert_element_type3A_41, %max3A_31, %dot_general3A_45 {dimension_numbers = #tpu.dot_dimension_numbers<[0], [0], [1], [1], [0, 1, 1, 1], [], []>, precision = #tpu.contract_precision<fp32>, transpose_lhs_hint = false} : vector<2000x64xf32>, vector<2000x128xf32>, vector<64x128xf32> -> vector<64x128xf32>
    %add3A_47 = arith.addf %get3A_44, %dot_general3A_46 : vector<64x128xf32>
    %swap3A = arith.constant 0 : index
    %swap3A_48 = arith.constant 0 : index
    %swap3A_49 = vector.load %arg12[%swap3A, %swap3A_48] : memref<64x128xf32, #tpu.memory_space<vmem>>, vector<64x128xf32>
    tpu.vector_store %arg12[%swap3A, %swap3A_48], %add3A_47 {strides = array<i32>} : memref<64x128xf32, #tpu.memory_space<vmem>>, vector<64x128xf32>,
    %broadcast_in_dim3A = arith.constant 1.000000e+00 : f32
    %broadcast_in_dim3A_50 = vector.broadcast %broadcast_in_dim3A : f32 to vector<2000x1xf32>
    %get3A_51 = arith.constant 0 : index
    %get3A_52 = arith.constant 0 : index
    %get3A_53 = vector.load %arg13[%get3A_51, %get3A_52] : memref<64x1xf32, #tpu.memory_space<vmem>>, vector<64x1xf32>
    %dot_general3A_54 = arith.constant dense<0.000000e+00> : vector<64x1xf32>
    %dot_general3A_55 = tpu.matmul %convert_element_type3A_41, %broadcast_in_dim3A_50, %dot_general3A_54 {dimension_numbers = #tpu.dot_dimension_numbers<[0], [0], [1], [1], [0, 1, 1, 1], [], []>, precision = #tpu.contract_precision<fp32>, transpose_lhs_hint = false} : vector<2000x64xf32>, vector<2000x1xf32>, vector<64x1xf32> -> vector<64x1xf32>
    %add3A_56 = arith.addf %get3A_53, %dot_general3A_55 : vector<64x1xf32>
    %swap3A_57 = arith.constant 0 : index
    %swap3A_58 = arith.constant 0 : index
    %swap3A_59 = vector.load %arg13[%swap3A_57, %swap3A_58] : memref<64x1xf32, #tpu.memory_space<vmem>>, vector<64x1xf32>
    tpu.vector_store %arg13[%swap3A_57, %swap3A_58], %add3A_56 {strides = array<i32>} : memref<64x1xf32, #tpu.memory_space<vmem>>, vector<64x1xf32>,
    %eq3A_60 = arith.constant 4 : i32
    %eq3A_61 = arith.cmpi eq, %arg0, %eq3A_60 : i32
    %convert_element_type3A_62 = arith.extui %eq3A_61 : i1 to i32
    %cond3A_63 = arith.constant 0 : i32
    %cond3A_64 = arith.cmpi ne, %convert_element_type3A_62, %cond3A_63 : i32
    scf.if %cond3A_64 {
      %get3A_65 = arith.constant 0 : index
      %get3A_66 = arith.constant 0 : index
      %get3A_67 = vector.load %arg12[%get3A_65, %get3A_66] : memref<64x128xf32, #tpu.memory_space<vmem>>, vector<64x128xf32>
      %get3A_68 = arith.constant 0 : index
      %get3A_69 = arith.constant 0 : index
      %get3A_70 = vector.load %arg13[%get3A_68, %get3A_69] : memref<64x1xf32, #tpu.memory_space<vmem>>, vector<64x1xf32>
      %max3A_71 = arith.constant 1.000000e+00 : f32
      %max3A_72 = vector.broadcast %max3A_71 : f32 to vector<64x1xf32>
      %max3A_73 = arith.maximumf %get3A_70, %max3A_72 : vector<64x1xf32>
      %div3A = vector.broadcast %max3A_73 : vector<64x1xf32> to vector<64x128xf32>
      %div3A_74 = arith.divf %get3A_67, %div3A : vector<64x128xf32>
      %get3A_75 = arith.constant 0 : index
      %get3A_76 = arith.constant 0 : index
      %get3A_77 = vector.load %arg9[%get3A_75, %get3A_76] : memref<128x1xf32, #tpu.memory_space<vmem>>, vector<128x1xf32>
      %dot_general3A_78 = arith.constant dense<0.000000e+00> : vector<64x1xf32>
      %dot_general3A_79 = tpu.matmul %div3A_74, %get3A_77, %dot_general3A_78 {dimension_numbers = #tpu.dot_dimension_numbers<[1], [0], [0], [1], [0, 0, 1, 1], [], []>, transpose_lhs_hint = false} : vector<64x128xf32>, vector<128x1xf32>, vector<64x1xf32> -> vector<64x1xf32>
      %get3A_80 = arith.constant 0 : index
      %get3A_81 = arith.constant 0 : index
      %get3A_82 = vector.load %arg10[%get3A_80, %get3A_81] : memref<1x1xf32, #tpu.memory_space<vmem>>, vector<1x1xf32>
      %add3A_83 = vector.broadcast %get3A_82 : vector<1x1xf32> to vector<64x1xf32>
      %add3A_84 = arith.addf %dot_general3A_79, %add3A_83 : vector<64x1xf32>
      %swap3A_85 = arith.constant 0 : index
      %swap3A_86 = arith.constant 0 : index
      %swap3A_87 = vector.load %arg11[%swap3A_85, %swap3A_86] : memref<64x1xf32, #tpu.memory_space<vmem>>, vector<64x1xf32>
      tpu.vector_store %arg11[%swap3A_85, %swap3A_86], %add3A_84 {strides = array<i32>} : memref<64x1xf32, #tpu.memory_space<vmem>>, vector<64x1xf32>,
    } else {
    }
    return
  }
  func.func @transform_0(%arg0: i32) -> (i32, i32) {
    %c0_i32 = arith.constant 0 : i32
    %c0_i32_0 = arith.constant 0 : i32
    return %arg0, %c0_i32 : i32, i32
  }
  func.func @transform_1(%arg0: i32) -> (i32, i32) {
    %add3A = arith.constant 5 : i32
    %add3A_0 = arith.addi %arg0, %add3A : i32
    %c0_i32 = arith.constant 0 : i32
    %c0_i32_1 = arith.constant 0 : i32
    return %add3A_0, %c0_i32 : i32, i32
  }
  func.func @transform_2(%arg0: i32) -> (i32, i32) {
    %c0_i32 = arith.constant 0 : i32
    %c0_i32_0 = arith.constant 0 : i32
    return %arg0, %c0_i32 : i32, i32
  }
  func.func @transform_3(%arg0: i32) -> (i32, i32) {
    %c0_i32 = arith.constant 0 : i32
    %c0_i32_0 = arith.constant 0 : i32
    %c0_i32_1 = arith.constant 0 : i32
    return %c0_i32, %c0_i32_0 : i32, i32
  }
  func.func @transform_4(%arg0: i32) -> (i32, i32) {
    %c0_i32 = arith.constant 0 : i32
    %c0_i32_0 = arith.constant 0 : i32
    %c0_i32_1 = arith.constant 0 : i32
    return %c0_i32, %c0_i32_0 : i32, i32
  }
  func.func @transform_5(%arg0: i32) -> (i32, i32) {
    %c0_i32 = arith.constant 0 : i32
    %c0_i32_0 = arith.constant 0 : i32
    %c0_i32_1 = arith.constant 0 : i32
    return %c0_i32, %c0_i32_0 : i32, i32
  }
  func.func @transform_6(%arg0: i32) -> (i32, i32) {
    %c0_i32 = arith.constant 0 : i32
    %c0_i32_0 = arith.constant 0 : i32
    %c0_i32_1 = arith.constant 0 : i32
    return %c0_i32, %c0_i32_0 : i32, i32
  }
  func.func @transform_7(%arg0: i32) -> (i32, i32) {
    %c0_i32 = arith.constant 0 : i32
    %c0_i32_0 = arith.constant 0 : i32
    return %arg0, %c0_i32 : i32, i32
  }
  func.func @transform_8(%arg0: i32) -> (i32, i32) {
    %c0_i32 = arith.constant 0 : i32
    %c0_i32_0 = arith.constant 0 : i32
    %c0_i32_1 = arith.constant 0 : i32
    return %c0_i32, %c0_i32_0 : i32, i32
  }
  func.func @transform_9(%arg0: i32) -> (i32, i32) {
    %c0_i32 = arith.constant 0 : i32
    %c0_i32_0 = arith.constant 0 : i32
    %c0_i32_1 = arith.constant 0 : i32
    return %c0_i32, %c0_i32_0 : i32, i32
  }
  func.func @transform_10(%arg0: i32) -> (i32, i32) {
    %c0_i32 = arith.constant 0 : i32
    %c0_i32_0 = arith.constant 0 : i32
    %c0_i32_1 = arith.constant 0 : i32
    return %c0_i32, %c0_i32_0 : i32, i32
  }
}

module attributes {stable_mosaic.version = 14 : i64} {
  func.func @gin_mlp_tc(%arg0: i32, %arg1: memref<2000x128xf32, #tpu.memory_space<vmem>>, %arg2: memref<2000x128xf32, #tpu.memory_space<vmem>>, %arg3: memref<2000x128xf32, #tpu.memory_space<vmem>>, %arg4: memref<128x128xf32, #tpu.memory_space<vmem>>, %arg5: memref<1x128xf32, #tpu.memory_space<vmem>>, %arg6: memref<128x128xf32, #tpu.memory_space<vmem>>, %arg7: memref<1x128xf32, #tpu.memory_space<vmem>>, %arg8: memref<2000x128xf32, #tpu.memory_space<vmem>>) attributes {dimension_semantics = [#tpu.dimension_semantics<arbitrary>], iteration_bounds = array<i64: 5>, scalar_prefetch = 0 : i64, scratch_operands = 0 : i64, tpu.core_type = #tpu.core_type<tc>, window_params = [{transform_indices = @transform_0, window_bounds = array<i64: 2000, 128>}, {transform_indices = @transform_1, window_bounds = array<i64: 2000, 128>}, {transform_indices = @transform_2, window_bounds = array<i64: 2000, 128>}, {pipeline_mode = #tpu.pipeline_mode<synchronous>, transform_indices = @transform_3, window_bounds = array<i64: 128, 128>}, {pipeline_mode = #tpu.pipeline_mode<synchronous>, transform_indices = @transform_4, window_bounds = array<i64: 1, 128>}, {pipeline_mode = #tpu.pipeline_mode<synchronous>, transform_indices = @transform_5, window_bounds = array<i64: 128, 128>}, {pipeline_mode = #tpu.pipeline_mode<synchronous>, transform_indices = @transform_6, window_bounds = array<i64: 1, 128>}, {transform_indices = @transform_7, window_bounds = array<i64: 2000, 128>}]} {
    %get3A = arith.constant 0 : index
    %get3A_0 = arith.constant 0 : index
    %get3A_1 = vector.load %arg1[%get3A, %get3A_0] : memref<2000x128xf32, #tpu.memory_space<vmem>>, vector<2000x128xf32>
    %get3A_2 = arith.constant 0 : index
    %get3A_3 = arith.constant 0 : index
    %get3A_4 = vector.load %arg2[%get3A_2, %get3A_3] : memref<2000x128xf32, #tpu.memory_space<vmem>>, vector<2000x128xf32>
    %add3A = arith.addf %get3A_1, %get3A_4 : vector<2000x128xf32>
    %get3A_5 = arith.constant 0 : index
    %get3A_6 = arith.constant 0 : index
    %get3A_7 = vector.load %arg3[%get3A_5, %get3A_6] : memref<2000x128xf32, #tpu.memory_space<vmem>>, vector<2000x128xf32>
    %sub3A = arith.subf %add3A, %get3A_7 : vector<2000x128xf32>
    %get3A_8 = arith.constant 0 : index
    %get3A_9 = arith.constant 0 : index
    %get3A_10 = vector.load %arg4[%get3A_8, %get3A_9] : memref<128x128xf32, #tpu.memory_space<vmem>>, vector<128x128xf32>
    %dot_general3A = arith.constant dense<0.000000e+00> : vector<2000x128xf32>
    %dot_general3A_11 = tpu.matmul %sub3A, %get3A_10, %dot_general3A {dimension_numbers = #tpu.dot_dimension_numbers<[1], [0], [0], [1], [0, 0, 1, 1], [], []>, transpose_lhs_hint = false} : vector<2000x128xf32>, vector<128x128xf32>, vector<2000x128xf32> -> vector<2000x128xf32>
    %get3A_12 = arith.constant 0 : index
    %get3A_13 = arith.constant 0 : index
    %get3A_14 = vector.load %arg5[%get3A_12, %get3A_13] : memref<1x128xf32, #tpu.memory_space<vmem>>, vector<1x128xf32>
    %add3A_15 = vector.broadcast %get3A_14 : vector<1x128xf32> to vector<2000x128xf32>
    %add3A_16 = arith.addf %dot_general3A_11, %add3A_15 : vector<2000x128xf32>
    %max3A = arith.constant 0.000000e+00 : f32
    %max3A_17 = vector.broadcast %max3A : f32 to vector<2000x128xf32>
    %max3A_18 = arith.maximumf %add3A_16, %max3A_17 : vector<2000x128xf32>
    %get3A_19 = arith.constant 0 : index
    %get3A_20 = arith.constant 0 : index
    %get3A_21 = vector.load %arg6[%get3A_19, %get3A_20] : memref<128x128xf32, #tpu.memory_space<vmem>>, vector<128x128xf32>
    %dot_general3A_22 = arith.constant dense<0.000000e+00> : vector<2000x128xf32>
    %dot_general3A_23 = tpu.matmul %max3A_18, %get3A_21, %dot_general3A_22 {dimension_numbers = #tpu.dot_dimension_numbers<[1], [0], [0], [1], [0, 0, 1, 1], [], []>, transpose_lhs_hint = false} : vector<2000x128xf32>, vector<128x128xf32>, vector<2000x128xf32> -> vector<2000x128xf32>
    %get3A_24 = arith.constant 0 : index
    %get3A_25 = arith.constant 0 : index
    %get3A_26 = vector.load %arg7[%get3A_24, %get3A_25] : memref<1x128xf32, #tpu.memory_space<vmem>>, vector<1x128xf32>
    %add3A_27 = vector.broadcast %get3A_26 : vector<1x128xf32> to vector<2000x128xf32>
    %add3A_28 = arith.addf %dot_general3A_23, %add3A_27 : vector<2000x128xf32>
    %max3A_29 = arith.constant 0.000000e+00 : f32
    %max3A_30 = vector.broadcast %max3A_29 : f32 to vector<2000x128xf32>
    %max3A_31 = arith.maximumf %add3A_28, %max3A_30 : vector<2000x128xf32>
    %swap3A = arith.constant 0 : index
    %swap3A_32 = arith.constant 0 : index
    %swap3A_33 = vector.load %arg8[%swap3A, %swap3A_32] : memref<2000x128xf32, #tpu.memory_space<vmem>>, vector<2000x128xf32>
    tpu.vector_store %arg8[%swap3A, %swap3A_32], %max3A_31 {strides = array<i32>} : memref<2000x128xf32, #tpu.memory_space<vmem>>, vector<2000x128xf32>,
    return
  }
  func.func @transform_0(%arg0: i32) -> (i32, i32) {
    %c0_i32 = arith.constant 0 : i32
    %c0_i32_0 = arith.constant 0 : i32
    return %arg0, %c0_i32 : i32, i32
  }
  func.func @transform_1(%arg0: i32) -> (i32, i32) {
    %add3A = arith.constant 5 : i32
    %add3A_0 = arith.addi %arg0, %add3A : i32
    %c0_i32 = arith.constant 0 : i32
    %c0_i32_1 = arith.constant 0 : i32
    return %add3A_0, %c0_i32 : i32, i32
  }
  func.func @transform_2(%arg0: i32) -> (i32, i32) {
    %c0_i32 = arith.constant 0 : i32
    %c0_i32_0 = arith.constant 0 : i32
    return %arg0, %c0_i32 : i32, i32
  }
  func.func @transform_3(%arg0: i32) -> (i32, i32) {
    %c0_i32 = arith.constant 0 : i32
    %c0_i32_0 = arith.constant 0 : i32
    %c0_i32_1 = arith.constant 0 : i32
    return %c0_i32, %c0_i32_0 : i32, i32
  }
  func.func @transform_4(%arg0: i32) -> (i32, i32) {
    %c0_i32 = arith.constant 0 : i32
    %c0_i32_0 = arith.constant 0 : i32
    %c0_i32_1 = arith.constant 0 : i32
    return %c0_i32, %c0_i32_0 : i32, i32
  }
  func.func @transform_5(%arg0: i32) -> (i32, i32) {
    %c0_i32 = arith.constant 0 : i32
    %c0_i32_0 = arith.constant 0 : i32
    %c0_i32_1 = arith.constant 0 : i32
    return %c0_i32, %c0_i32_0 : i32, i32
  }
  func.func @transform_6(%arg0: i32) -> (i32, i32) {
    %c0_i32 = arith.constant 0 : i32
    %c0_i32_0 = arith.constant 0 : i32
    %c0_i32_1 = arith.constant 0 : i32
    return %c0_i32, %c0_i32_0 : i32, i32
  }
  func.func @transform_7(%arg0: i32) -> (i32, i32) {
    %c0_i32 = arith.constant 0 : i32
    %c0_i32_0 = arith.constant 0 : i32
    return %arg0, %c0_i32 : i32, i32
  }
}

</mosaic_0001>

<sc_bundles>
// kernel: gin_edge_agg_sc.10.cloned.1.call-start
scs
__scs_entry_jumppad:
0x0: {  	(pc) =	sbr.rel $0x88, $3  }
0x1: {  	(tag) =	ssettag $0x0;
	lr =	simm.s32 $0x1  }
0x2: {  	[smem:$0x3F88] =	sst lr;
	_ =	strace $0xD0000000  }
0x3: {  	_ = 	snop  }
0x4: {  	_ = 	snop  }
0x5: {  	_ = 	snop  }
0x6: {  	_ = 	snop  }
0x7: {  	_ = 	snop  }
__scs_overlays_trampoline_lowered:
0x8: {  	[smem:$0x3F97] =	sst s0  }
0x9: {  	[smem:$0x3F98] =	sst s1  }
0xa: {  	[smem:$0x3F99] =	sst s2  }
0xb: {  	[smem:$0x3F9A] =	sst s3  }
0xc: {  	[smem:$0x3F9B] =	sst s4  }
0xd: {  	[smem:$0x3F9C] =	sst s5  }
0xe: {  	[smem:$0x3F9D] =	sst s6  }
0xf: {  	[smem:$0x3F9E] =	sst s7  }
0x10: {  	[smem:$0x3F9F] =	sst s8  }
0x11: {  	[smem:$0x3FA0] =	sst s9;
	s0 =	simm.s32 @!p0 $0x0  }
0x12: {  	s1 =	sld [smem:$0x3F86];
	s0 =	simm.s32 @p0 $0x1  }
0x13: {  	[smem:$0x3FA1] =	sst s0;
	s0 =	simm.s32 @!p1 $0x0  }
0x14: {  	s2 =	sld [smem:$0x3F85];
	s0 =	simm.s32 @p1 $0x1  }
0x15: {  	[smem:$0x3FA2] =	sst s0;
	s0 =	simm.s32 @!p2 $0x0  }
0x16: {  	s3 =	sld [smem:$0x3FDB];
	s0 =	simm.s32 @p2 $0x1  }
0x17: {  	s4 =	simm.s32 $0x1BF5;
	[smem:$0x3FA4] =	sst s0  }
0x18: {  	s0 =	sld [smem:$0x3F87];
	_ =	swait.ge [sflag:s4], $0x0  }
0x19: {  	s7 =	sld [smem:$0x3F88]  }
0x1a: {  	s8 =	sadd.s32 $0xFFFFE003, lr  }
0x1b: {  	s9 =	sadd.s32 $0xFFFFFEF7, lr;
	s5 =	simm.s32 $0xFFFFFFFF;
	p2 =	slt.u32 s8, $0xFFFFF086  }
0x1c: {  	p1 =	slt.u32 s9, $0xF7A;
	s5 =	simm.s32 @!p2 $0x0  }
0x1d: {  	s5 =	simm.s32 @p1 $0x1;
	p0 =	seq.s32 s7, s2  }
0x1e: {  	s7 =	smul.u32 @!p0 $0xF7A, s2;
	p2 =	seq.s32 @!p0 s5, $0x0  }
0x1f: {  	s9 =	smul.u32 $0xF7A, s1;
	s8 =	simm.s32 @!p0 $0x1BF5;
	p2 =	por !p2, p0  }
0x20: {  	[sflag:s8] =	ssyncset.s32 @!p0 $0xFFFFF086;
	s6 =	sadd.s32 @!p0 s3, s7;
	s7 =	simm.s32 @!p0 $0x108  }
0x21: {  	s3 =	sadd.s32 s3, s9;
	s6 =	sadd.s32 @!p0 $0x88, s6;
	s7 =	simm.s32 @p2 $0x1082  }
0x22: {  	[simem:s7], [sflag:s8] =	dma.local @!p0 [hbm:s6], $0xF7A  }
0x23: {  	s9 =	sor.u32 $0xD0000000, s2;
	s6 =	simm.s32 $0x108;
	_ =	swait.ge @!p0 [sflag:s8], $0x0  }
0x24: {  	s3 =	sadd.s32 $0x88, s3;
	s6 =	simm.s32 @!p1 $0x1082;
	[sflag:s4] =	ssyncset.s32 $0xFFFFF086  }
0x25: {  	[simem:s6], [sflag:s4] =	dma.local [hbm:s3], $0xF7A  }
0x26: {  	[smem:$0x3F88] =	sst s1;
	(tag) =	ssettag s2;
	_ =	strace s9  }
0x27: {  	s1 =	sld [smem:$0x3F98]  }
0x28: {  	s2 =	sld [smem:$0x3F99]  }
0x29: {  	s4 =	sld [smem:$0x3F9B]  }
0x2a: {  	p0 =	seq.s32 s5, $0x0;
	s5 =	sld [smem:$0x3F9C]  }
0x2b: {  	s6 =	sld [smem:$0x3F9D]  }
0x2c: {  	s7 =	sld [smem:$0x3F9E]  }
0x2d: {  	s3 =	simm.s32 $0x108;
	s8 =	sld [smem:$0x3F9F]  }
0x2e: {  	s3 =	simm.s32 @!p0 $0x1082;
	s9 =	sld [smem:$0x3FA0]  }
0x2f: {  	lr =	sadd.s32 s0, s3;
	s0 =	sld [smem:$0x3F97]  }
0x30: {  	s3 =	sld [smem:$0x3F9A]  }
0x31: {  	[smem:$0x3FA3] =	sst s10  }
0x32: {  	s10 =	sld [smem:$0x3FA1];
	_ =	sdelay $0x3  }
0x33: {  	p0 =	seq.s32 s10, $0x1;
	s10 =	sld [smem:$0x3FA3];
	_ =	sdelay $0x3  }
0x34: {  	[smem:$0x3FA3] =	sst s10  }
0x35: {  	s10 =	sld [smem:$0x3FA2];
	_ =	sdelay $0x3  }
0x36: {  	p1 =	seq.s32 s10, $0x1;
	s10 =	sld [smem:$0x3FA3];
	_ =	sdelay $0x3  }
0x37: {  	[smem:$0x3FA3] =	sst s10  }
0x38: {  	s10 =	sld [smem:$0x3FA4]  }
0x39: {  	_ = 	snop;
	(pc) =	sbr.ind lr, $3  }
0x3a: {  	_ = 	snop  }
0x3b: {  	_ = 	snop  }
0x3c: {  	p2 =	seq.s32 s10, $0x1;
	s10 =	sld [smem:$0x3FA3]  }
0x3d: {  	_ =	shalt  }
0x3e: {  	_ =	shalt  }
0x3f: {  	_ =	shalt  }
0x40: {  	_ =	shalt  }
0x41: {  	_ =	shalt  }
0x42: {  	_ =	shalt  }
0x43: {  	_ =	shalt  }
0x44: {  	_ =	shalt  }
0x45: {  	_ =	shalt  }
0x46: {  	_ =	shalt  }
0x47: {  	_ =	shalt  }
0x48: {  	_ =	shalt  }
0x49: {  	_ =	shalt  }
0x4a: {  	_ =	shalt  }
0x4b: {  	_ =	shalt  }
0x4c: {  	_ =	shalt  }
0x4d: {  	_ =	shalt  }
0x4e: {  	_ =	shalt  }
0x4f: {  	_ =	shalt  }
0x50: {  	_ =	shalt  }
0x51: {  	_ =	shalt  }
0x52: {  	_ =	shalt  }
0x53: {  	_ =	shalt  }
0x54: {  	_ =	shalt  }
0x55: {  	_ =	shalt  }
0x56: {  	_ =	shalt  }
0x57: {  	_ =	shalt  }
0x58: {  	_ =	shalt  }
0x59: {  	_ =	shalt  }
0x5a: {  	_ =	shalt  }
0x5b: {  	_ =	shalt  }
0x5c: {  	_ =	shalt  }
0x5d: {  	_ =	shalt  }
0x5e: {  	_ =	shalt  }
0x5f: {  	_ =	shalt  }
0x60: {  	_ =	shalt  }
0x61: {  	_ =	shalt  }
0x62: {  	_ =	shalt  }
0x63: {  	_ =	shalt  }
0x64: {  	_ =	shalt  }
0x65: {  	_ =	shalt  }
0x66: {  	_ =	shalt  }
0x67: {  	_ =	shalt  }
0x68: {  	_ =	shalt  }
0x69: {  	_ =	shalt  }
0x6a: {  	_ =	shalt  }
0x6b: {  	_ =	shalt  }
0x6c: {  	_ =	shalt  }
0x6d: {  	_ =	shalt  }
0x6e: {  	_ =	shalt  }
0x6f: {  	_ =	shalt  }
0x70: {  	_ =	shalt  }
0x71: {  	_ =	shalt  }
0x72: {  	_ =	shalt  }
0x73: {  	_ =	shalt  }
0x74: {  	_ =	shalt  }
0x75: {  	_ =	shalt  }
0x76: {  	_ =	shalt  }
0x77: {  	_ =	shalt  }
0x78: {  	_ =	shalt  }
0x79: {  	_ =	shalt  }
0x7a: {  	_ =	shalt  }
0x7b: {  	_ =	shalt  }
0x7c: {  	_ =	shalt  }
0x7d: {  	_ =	shalt  }
0x7e: {  	_ =	shalt  }
0x7f: {  	_ =	shalt  }
0x80: {  	_ =	shalt  }
0x81: {  	_ =	shalt  }
0x82: {  	_ =	shalt  }
0x83: {  	_ =	shalt  }
0x84: {  	_ =	shalt  }
0x85: {  	_ =	shalt  }
0x86: {  	_ =	shalt  }
0x87: {  	_ =	shalt  }
.Lfunc_end0:
.L_simem_size_0:
called_computation.1_lowered:
.L_overlay_start_0:
0x88: {  	s2 =	sld [smem:$0x3FD9]  }
0x89: {  	s3 =	sld [smem:$0x3FFE];
	_ =	sdelay $0x1  }
0x8a: {  	s1 =	srdreg.scid  }
0x8b: {  	s0 =	sand.u32 $0x1, s1  }
0x8c: {  	s16 =	sshll.u32 s0, $0xA;
	s2 =	sadd.s32 s3, s2  }
0x8d: {  	s2 =	sadd.s32 s2, s16  }
0x8e: {  	[smem:$0x3FAF] =	sst s2  }
0x8f: {  	_ = 	snop  }
0x90: {  	(tm) =	ssettm $0x1  }
0x91: {  	s17 =	sld [smem:$0x3FFB];
	_ =	sdelay $0x3  }
0x92: {  	_ =	strace s17  }
0x93: {  	s2 =	sld [smem:$0x3FFC];
	_ =	sdelay $0x3  }
0x94: {  	_ =	strace s2  }
0x95: {  	s2 =	sld [smem:$0x3FFD];
	_ =	sdelay $0x3  }
0x96: {  	_ =	strace s2  }
0x97: {  	_ =	strace $0x8FFFFFFF  }
0x98: {  	s18 =	sld [smem:$0x3FDB];
	_ =	sdelay $0x1  }
0x99: {  	s19 =	simm.s32 $_scs_section_size  }
0x9a: {  	s4 =	simm.s32 $_size__tile_overlayer_lowered;
	s5 =	simm.s32 $_tile_overlayer_lowered  }
0x9b: {  	s22 =	simm.s32 $0x1BFF;
	s21 =	sshll.u32 s5, $0x1;
	s2 =	sadd.s32 s19, s18  }
0x9c: {  	s6 =	simm.s32 $0x0;
	s20 =	sshll.u32 s4, $0x1;
	s4 =	sadd.s32 s21, s2  }
0x9d: {  	[timem:s6], [sflag:s22] =	dma.local [hbm:s4], s20  }
0x9e: {  	_ =	swait.ge [sflag:s22], s20  }
0x9f: {  	s3 =	ssub.s32 $0x0, s20;
	[sflag:s22] =	ssyncset.done $0x0  }
0xa0: {  	[sflag:s22] =	ssyncadd.s32 s3;
	_ =	sdelay $0x1  }
0xa1: {  	s23 =	simm.s32 $0x1B8B  }
0xa2: {  	_ =	swait.ge [sflag:s23], $0x1  }
0xa3: {  	[sflag:s23] =	ssyncset.done $0x0  }
0xa4: {  	s25 =	simm.s32 $0x1B8E;
	s24 =	sld [smem:$0x3FFE];
	[sflag:s23] =	ssyncadd.s32 $0xFFFFFFFF  }
0xa5: {  	s26 =	simm.s32 $execute0_lowered;
	[smem:$0x3FD2] =	sst s25  }
0xa6: {  	s4 =	sshll.u32 s26, $0x1;
	_ =	strace $0x80000049;
	[dreg:$0x1] =	wrdreg $0xFFFFFFFF  }
0xa7: {  	s28 =	simm.s32 $_size_execute0_lowered;
	s2 =	sadd.s32 s2, s4;
	[dreg:$0x0] =	wrdreg $0x0  }
0xa8: {  	s4 =	sshll.u32 s28, $0x1;
	[dreg:$0x2] =	wrdreg s2  }
0xa9: {  	[dreg:$0x3] =	wrdreg s4  }
0xaa: {  	[dreg:$0x4] =	wrdreg $0xC0  }
0xab: {  	_ =	task [dreg:s6], $0x5FFFF  }
0xac: {  	[dreg:$0x1] =	wrdreg $0xFFFFFFFF  }
0xad: {  	[dreg:$0x0] =	wrdreg $0x60  }
0xae: {  	[dreg:$0x2] =	wrdreg s24  }
0xaf: {  	[dreg:$0x3] =	wrdreg $0x29000  }
0xb0: {  	[dreg:$0x4] =	wrdreg $0x9  }
0xb1: {  	_ =	task.clear_ibuf [dreg:s6], $0x5FFFF;
	_ =	strace $0x90000049  }
0xb2: {  	s29 =	simm.s32 $0x9;
	_ =	strace $0x8000004B  }
0xb3: {  	_ =	swait.ge [sflag:s29], $0x1  }
0xb4: {  	[sflag:s29] =	ssyncadd.s32 $0xFFFFFFFF  }
0xb5: {  	_ =	strace $0x9000004B  }
0xb6: {  	_ =	sfence  }
0xb7: {  	s30 =	sld [smem:$0x0];
	_ =	sdelay $0x2  }
0xb8: {  	s31 =	sshll.u32 s1, $0xD;
	s1 =	sshrl.u32 s1, $0x2  }
0xb9: {  	s3 =	sand.u32 $0x4000, s31;
	s1 =	sadd.s32 s1, s30  }
0xba: {  	s0 =	sor.u32 s3, s0;
	s1 =	sshll.u32 s1, $0x11  }
0xbb: {  	s0 =	sor.u32 s1, s0  }
0xbc: {  	s0 =	sadd.s32 $0x8F2B, s0  }
0xbd: {  	[sflag:s0] =	ssyncadd.remote.s32 $0x1  }
0xbe: {  	_ =	sfence.sel $0xFFFF  }
0xbf: {  	[dreg:$0x0] =	wrdreg $0xFFFFFFFF;
	(pc) =	sbr.abs _section_cstart, $3  }
0xc0: {  	[dreg:$0x1] =	wrdreg $0xFFFFFFFF  }
0xc1: {  	_ =	task.clear_ibuf [dreg:s6], $0x2FFFF;
	_ =	strace $0x9FFFFFFF  }
0xc2: {  	(tm) =	ssettm $0x7FFFFFFF  }
0xc3: {  	_ =	shalt  }
tec
execute0_lowered:
.L_overlay_start_1:
0x0: {  	(tag) =	ssettag $0x1  }
0x1: {  	s7 =	rddreg [dreg:$0x0]  }
0x2: {  	s2 =	rddreg [dreg:$0x1]  }
0x3: {  	s0 =	srdreg.scid;
	s1 =	rddreg [dreg:$0x2]  }
0x4: {  	s3 =	simm.s32 $0x0;
	s16 =	simm.s32 $0x50;
	s5 =	sand.u32 $0x1, s0  }
0x5: {  	s17 =	simm.s32 $0x80;
	s0 =	stileid.u32;
	s8 =	smul.u32 $0x27100, s5  }
0x6: {  	s18 =	simm.s32 $0x1;
	s19 =	simm.s32 $0x2880;
	s4 =	smul.u32 $0x2710, s0  }
0x7: {  	s20 =	simm.s32 $0x0;
	[smem:$0x7FF] =	sst s3;
	s28 =	smul.u32 $0x4E000, s0  }
0x8: {  	s9 =	sadd.s32 $0x40800, s7;
	s15 =	sadd.s32 $0x138000, s2;
	s11 =	smul.u32 $0x2700, s0  }
0x9: {  	_ =	strace $0x8000004A;
	s10 =	ssub.s32 $0x2, s5;
	s14 =	smul.u32 $0x138800, s5  }
0xa: {  	s30 =	sshll.u32 s0, $0x6;
	p0 =	sne.s32 s0, $0xF;
	s13 =	sshrl.u32 s10, $0x1  }
0xb: {  	s15 =	sshrl.u32 @!p0 s15, $0x3;
	s4 =	sadd.s32 s4, s8;
	s10 =	ssub.s32 s10, s13  }
0xc: {  	s14 =	sshrl.u32 s14, $0x3;
	s8 =	sadd.s32 s11, s8;
	s6 =	sshrl.u32 s4, $0x3  }
0xd: {  	s4 =	sadd.s32 $0x19600, s7;
	s31 =	sadd.s32 s9, s14;
	s8 =	sadd.s32 s9, s8  }
0xe: {  	s10 =	smax.u32 s10, $0x1;
	s14 =	simm.s32 $0x2;
	s12 =	sadd.s32 s6, s7  }
0xf: {  	s6 =	sshrl.u32 s28, $0x2;
	s5 =	sadd.s32 s4, s11;
	s7 =	sadd.s32 $0x40600, s7  }
0x10: {  	s9 =	sadd.s32 $0x27000, s31;
	s29 =	sadd.s32 s6, s2;
	s6 =	sor.u32 $0x1C02, s30  }
0x11: {  	s11 =	sadd.s32 $0x5A00, s12;
	s12 =	sadd.s32 $0xF800, s12;
	s13 =	sshrl.u32 s29, $0x3  }
.LBB2_1:
0x12: {  	[spmem:s13], [sflag:s6] =	dma.local [hbm:s5], $0x2700  }
0x13: {  	_ =	swait.ge [sflag:s14], $0x2700  }
0x14: {  	[sflag:s14] =	ssyncset.done $0x0  }
0x15: {  	s21 =	simm.s32 @!p0 $0x2;
	[sflag:s14] =	ssyncadd.s32 $0xFFFFD900  }
0x16: {  	[spmem:s15], [sflag:s6] =	dma.local @!p0 [hbm:s7], $0x100  }
0x17: {  	_ =	swait.ge @!p0 [sflag:s21], $0x100  }
0x18: {  	[sflag:s21] =	ssyncset.done @!p0 $0x0  }
0x19: {  	[sflag:s21] =	ssyncadd.s32 @!p0 $0xFFFFFF00  }
0x1a: {  	s30 =	sadd.s32 $0x0, s12;
	[bflag:$0x0] =	sbarrier.arrive $0xFFFF  }
0x1b: {  	[tilespmem:s3], [sflag:$0x2] =	stream.linear.gather [hbm4b:s30+s3], $0x50, $0x38;
	[tilespmem:$0x16180] =	vst v63  }
0x1c: {  	_ =	swait.ge [sflag:s14], $0x50  }
0x1d: {  	[sflag:s14] =	ssyncset.done $0x0  }
0x1e: {  	[sflag:s14] =	ssyncadd.s32 $0xFFFFFFB0  }
0x1f: {  	[tilespmem:s17], [sflag:$0x1] =	stream.indirect.gather [hbm4b:s4+s16], $0x80, s3, s16, $0xb8;
	[tilespmem:$0x16180] =	vst v63  }
0x20: {  	_ =	swait.ge [sflag:s18], $0x2800  }
0x21: {  	[sflag:s18] =	ssyncset.done $0x0  }
0x22: {  	s31 =	sadd.s32 $0x0, s11;
	[sflag:s18] =	ssyncadd.s32 $0xFFFFD800  }
0x23: {  	[tilespmem:s19], [sflag:$0x2] =	stream.linear.gather [hbm4b:s31+s3], $0x50, $0x38;
	[tilespmem:$0x16180] =	vst v63  }
0x24: {  	_ =	swait.ge [sflag:s14], $0x50  }
0x25: {  	[sflag:s14] =	ssyncset.done $0x0  }
0x26: {  	[sflag:s14] =	ssyncadd.s32 $0xFFFFFFB0  }
0x27: {  	[spmem:s2] =	stream.indirect.scatter.add.f32 [tilespmem:s17], [sflag:$0x2], $0x80, s19, s16, $0xb8;
	[tilespmem:$0x16180] =	vst v63  }
0x28: {  	_ =	swait.ge [sflag:s14], $0x2800  }
0x29: {  	s22 =	simm.s32 $0x14;
	s21 =	simm.s32 $0xA;
	[sflag:s14] =	ssyncset.done $0x0  }
.LBB2_2:
0x2a: {  	s23 =	sadd.s32 s21, s12  }
0x2b: {  	[sflag:s14] =	ssyncadd.s32 $0xFFFFD800;
	s24 =	smov.u32 s22;
	s25 =	sadd.s32 $0xA, s22  }
0x2c: {  	[tilespmem:s3], [sflag:$0x2] =	stream.linear.gather [hbm4b:s23+s3], $0x50, $0x38;
	[tilespmem:$0x16180] =	vst v63  }
0x2d: {  	p1 =	sne.s32 s22, $0x4D8;
	_ =	swait.ge [sflag:s14], $0x50  }
0x2e: {  	[sflag:s14] =	ssyncset.done $0x0  }
0x2f: {  	[sflag:s14] =	ssyncadd.s32 $0xFFFFFFB0  }
0x30: {  	[tilespmem:s17], [sflag:$0x1] =	stream.indirect.gather [hbm4b:s4+s16], $0x80, s3, s16, $0xb8;
	[tilespmem:$0x16180] =	vst v63  }
0x31: {  	_ =	swait.ge [sflag:s18], $0x2800  }
0x32: {  	[sflag:s18] =	ssyncset.done $0x0  }
0x33: {  	s22 =	sadd.s32 s21, s11;
	s21 =	smov.u32 s24;
	[sflag:s18] =	ssyncadd.s32 $0xFFFFD800  }
0x34: {  	[tilespmem:s19], [sflag:$0x2] =	stream.linear.gather [hbm4b:s22+s3], $0x50, $0x38;
	[tilespmem:$0x16180] =	vst v63  }
0x35: {  	_ =	swait.ge [sflag:s14], $0x50  }
.Ltmp0:
0x36: {  	[sflag:s14] =	ssyncset.done $0x0;
	(pc) =	sbr.rel @p1 .LBB2_2-.Ltmp0, $4  }
0x37: {  	[sflag:s14] =	ssyncadd.s32 $0xFFFFFFB0  }
0x38: {  	[spmem:s2] =	stream.indirect.scatter.add.f32 [tilespmem:s17], [sflag:$0x2], $0x80, s19, s16, $0xb8;
	[tilespmem:$0x16180] =	vst v63  }
0x39: {  	_ =	swait.ge [sflag:s14], $0x2800  }
0x3a: {  	s22 =	smov.u32 s25;
	[sflag:s14] =	ssyncset.done $0x0  }
0x3b: {  	s22 =	sadd.s32 s21, s12;
	[sflag:s14] =	ssyncadd.s32 $0xFFFFD800  }
0x3c: {  	[tilespmem:s3], [sflag:$0x2] =	stream.linear.gather [hbm4b:s22+s3], $0x50, $0x38;
	[tilespmem:$0x16180] =	vst v63  }
0x3d: {  	_ =	swait.ge [sflag:s14], $0x50  }
0x3e: {  	[sflag:s14] =	ssyncset.done $0x0  }
0x3f: {  	[sflag:s14] =	ssyncadd.s32 $0xFFFFFFB0  }
0x40: {  	[tilespmem:s17], [sflag:$0x1] =	stream.indirect.gather [hbm4b:s4+s16], $0x80, s3, s16, $0xb8;
	[tilespmem:$0x16180] =	vst v63  }
0x41: {  	_ =	swait.ge [sflag:s18], $0x2800  }
0x42: {  	[sflag:s18] =	ssyncset.done $0x0  }
0x43: {  	s31 =	sadd.s32 s21, s11;
	[sflag:s18] =	ssyncadd.s32 $0xFFFFD800  }
0x44: {  	[tilespmem:s19], [sflag:$0x2] =	stream.linear.gather [hbm4b:s31+s3], $0x50, $0x38;
	[tilespmem:$0x16180] =	vst v63  }
0x45: {  	_ =	swait.ge [sflag:s14], $0x50  }
0x46: {  	[sflag:s14] =	ssyncset.done $0x0  }
0x47: {  	[sflag:s14] =	ssyncadd.s32 $0xFFFFFFB0  }
0x48: {  	[spmem:s2] =	stream.indirect.scatter.add.f32 [tilespmem:s17], [sflag:$0x2], $0x80, s19, s16, $0xb8;
	[tilespmem:$0x16180] =	vst v63  }
0x49: {  	_ =	swait.ge [sflag:s14], $0x2800  }
0x4a: {  	[sflag:s14] =	ssyncset.done $0x0  }
0x4b: {  	[sflag:s14] =	ssyncadd.s32 $0xFFFFD800  }
0x4c: {  	[bflag:$0x0] =	sbarrier.arrive $0xFFFF  }
0x4d: {  	[hbm:s8], [sflag:s6] =	dma.local [spmem:s13], $0x2700  }
0x4e: {  	s20 =	sadd.s32 $0x1, s20;
	_ =	swait.ge [sflag:s14], $0x2700  }
0x4f: {  	p1 =	sne.s32 s20, s10;
	[sflag:s14] =	ssyncset.done $0x0  }
.Ltmp1:
0x50: {  	s21 =	simm.s32 @!p0 $0x2;
	[sflag:s14] =	ssyncadd.s32 $0xFFFFD900;
	(pc) =	sbr.rel @p1 .LBB2_1-.Ltmp1, $4  }
0x51: {  	[hbm:s9], [sflag:s6] =	dma.local @!p0 [spmem:s15], $0x100  }
0x52: {  	_ =	swait.ge @!p0 [sflag:s21], $0x100  }
0x53: {  	[sflag:s21] =	ssyncset.done @!p0 $0x0  }
0x54: {  	[sflag:s21] =	ssyncadd.s32 @!p0 $0xFFFFFF00  }
0x55: {  	_ =	sfence.sel $0x180000  }
0x56: {  	[bflag:$0x0] =	sbarrier.arrive $0xFFFF  }
0x57: {  	p0 =	sne.s32 s0, $0x0;
	_ =	strace $0x9000004A  }
0x58: {  	s0 =	sadd.s32 @!p0 $0x100000, s1;
	[bflag:$0x2] =	sbarrier.arrive $0xFFFF  }
0x59: {  	[sflag:s0] =	ssyncadd.tile.s32 @!p0 $0x1;
	_ =	shalt  }
.Lfunc_end2:
_tile_overlayer_lowered:
.L_overlay_start_2:
0x5a: {  	(tag) =	ssettag $0x2  }
0x5b: {  	s0 =	rddreg [dreg:$0x0];
	s2 =	stileid.u32  }
0x5c: {  	s1 =	rddreg [dreg:$0x1];
	p0 =	sne.s32 s2, $0x0  }
0x5d: {  	s3 =	rddreg [dreg:$0x2];
	[bflag:$0x3] =	sbarrier.arrive $0xFFFF;
	s2 =	simm.s32 @!p0 $0x1C02  }
0x5e: {  	[timem:s3], [sflag:s2] =	dma.local @!p0 [hbm:s0], s1  }
0x5f: {  	s0 =	simm.s32 @!p0 $0x2  }
0x60: {  	_ =	swait.ge @!p0 [sflag:s0], s1  }
0x61: {  	s1 =	ssub.s32 @!p0 $0x0, s1;
	[sflag:s0] =	ssyncset.done @!p0 $0x0  }
0x62: {  	[sflag:s0] =	ssyncadd.s32 @!p0 s1  }
0x63: {  	[bflag:$0x3] =	sbarrier.arrive $0xFFFF  }
0x64: {  	_ =	shalt  }

// kernel: gin_edge_agg_sc.13.cloned.1.call-start
scs
__scs_entry_jumppad:
0x0: {  	(pc) =	sbr.rel $0x88, $3  }
0x1: {  	(tag) =	ssettag $0x0;
	lr =	simm.s32 $0x1  }
0x2: {  	[smem:$0x3F88] =	sst lr;
	_ =	strace $0xD0000000  }
0x3: {  	_ = 	snop  }
0x4: {  	_ = 	snop  }
0x5: {  	_ = 	snop  }
0x6: {  	_ = 	snop  }
0x7: {  	_ = 	snop  }
__scs_overlays_trampoline_lowered:
0x8: {  	[smem:$0x3F97] =	sst s0  }
0x9: {  	[smem:$0x3F98] =	sst s1  }
0xa: {  	[smem:$0x3F99] =	sst s2  }
0xb: {  	[smem:$0x3F9A] =	sst s3  }
0xc: {  	[smem:$0x3F9B] =	sst s4  }
0xd: {  	[smem:$0x3F9C] =	sst s5  }
0xe: {  	[smem:$0x3F9D] =	sst s6  }
0xf: {  	[smem:$0x3F9E] =	sst s7  }
0x10: {  	[smem:$0x3F9F] =	sst s8  }
0x11: {  	[smem:$0x3FA0] =	sst s9;
	s0 =	simm.s32 @!p0 $0x0  }
0x12: {  	s1 =	sld [smem:$0x3F86];
	s0 =	simm.s32 @p0 $0x1  }
0x13: {  	[smem:$0x3FA1] =	sst s0;
	s0 =	simm.s32 @!p1 $0x0  }
0x14: {  	s2 =	sld [smem:$0x3F85];
	s0 =	simm.s32 @p1 $0x1  }
0x15: {  	[smem:$0x3FA2] =	sst s0;
	s0 =	simm.s32 @!p2 $0x0  }
0x16: {  	s3 =	sld [smem:$0x3FDB];
	s0 =	simm.s32 @p2 $0x1  }
0x17: {  	s4 =	simm.s32 $0x1BF5;
	[smem:$0x3FA4] =	sst s0  }
0x18: {  	s0 =	sld [smem:$0x3F87];
	_ =	swait.ge [sflag:s4], $0x0  }
0x19: {  	s7 =	sld [smem:$0x3F88]  }
0x1a: {  	s8 =	sadd.s32 $0xFFFFE003, lr  }
0x1b: {  	s9 =	sadd.s32 $0xFFFFFEF7, lr;
	s5 =	simm.s32 $0xFFFFFFFF;
	p2 =	slt.u32 s8, $0xFFFFF086  }
0x1c: {  	p1 =	slt.u32 s9, $0xF7A;
	s5 =	simm.s32 @!p2 $0x0  }
0x1d: {  	s5 =	simm.s32 @p1 $0x1;
	p0 =	seq.s32 s7, s2  }
0x1e: {  	s7 =	smul.u32 @!p0 $0xF7A, s2;
	p2 =	seq.s32 @!p0 s5, $0x0  }
0x1f: {  	s9 =	smul.u32 $0xF7A, s1;
	s8 =	simm.s32 @!p0 $0x1BF5;
	p2 =	por !p2, p0  }
0x20: {  	[sflag:s8] =	ssyncset.s32 @!p0 $0xFFFFF086;
	s6 =	sadd.s32 @!p0 s3, s7;
	s7 =	simm.s32 @!p0 $0x108  }
0x21: {  	s3 =	sadd.s32 s3, s9;
	s6 =	sadd.s32 @!p0 $0x88, s6;
	s7 =	simm.s32 @p2 $0x1082  }
0x22: {  	[simem:s7], [sflag:s8] =	dma.local @!p0 [hbm:s6], $0xF7A  }
0x23: {  	s9 =	sor.u32 $0xD0000000, s2;
	s6 =	simm.s32 $0x108;
	_ =	swait.ge @!p0 [sflag:s8], $0x0  }
0x24: {  	s3 =	sadd.s32 $0x88, s3;
	s6 =	simm.s32 @!p1 $0x1082;
	[sflag:s4] =	ssyncset.s32 $0xFFFFF086  }
0x25: {  	[simem:s6], [sflag:s4] =	dma.local [hbm:s3], $0xF7A  }
0x26: {  	[smem:$0x3F88] =	sst s1;
	(tag) =	ssettag s2;
	_ =	strace s9  }
0x27: {  	s1 =	sld [smem:$0x3F98]  }
0x28: {  	s2 =	sld [smem:$0x3F99]  }
0x29: {  	s4 =	sld [smem:$0x3F9B]  }
0x2a: {  	p0 =	seq.s32 s5, $0x0;
	s5 =	sld [smem:$0x3F9C]  }
0x2b: {  	s6 =	sld [smem:$0x3F9D]  }
0x2c: {  	s7 =	sld [smem:$0x3F9E]  }
0x2d: {  	s3 =	simm.s32 $0x108;
	s8 =	sld [smem:$0x3F9F]  }
0x2e: {  	s3 =	simm.s32 @!p0 $0x1082;
	s9 =	sld [smem:$0x3FA0]  }
0x2f: {  	lr =	sadd.s32 s0, s3;
	s0 =	sld [smem:$0x3F97]  }
0x30: {  	s3 =	sld [smem:$0x3F9A]  }
0x31: {  	[smem:$0x3FA3] =	sst s10  }
0x32: {  	s10 =	sld [smem:$0x3FA1];
	_ =	sdelay $0x3  }
0x33: {  	p0 =	seq.s32 s10, $0x1;
	s10 =	sld [smem:$0x3FA3];
	_ =	sdelay $0x3  }
0x34: {  	[smem:$0x3FA3] =	sst s10  }
0x35: {  	s10 =	sld [smem:$0x3FA2];
	_ =	sdelay $0x3  }
0x36: {  	p1 =	seq.s32 s10, $0x1;
	s10 =	sld [smem:$0x3FA3];
	_ =	sdelay $0x3  }
0x37: {  	[smem:$0x3FA3] =	sst s10  }
0x38: {  	s10 =	sld [smem:$0x3FA4]  }
0x39: {  	_ = 	snop;
	(pc) =	sbr.ind lr, $3  }
0x3a: {  	_ = 	snop  }
0x3b: {  	_ = 	snop  }
0x3c: {  	p2 =	seq.s32 s10, $0x1;
	s10 =	sld [smem:$0x3FA3]  }
0x3d: {  	_ =	shalt  }
0x3e: {  	_ =	shalt  }
0x3f: {  	_ =	shalt  }
0x40: {  	_ =	shalt  }
0x41: {  	_ =	shalt  }
0x42: {  	_ =	shalt  }
0x43: {  	_ =	shalt  }
0x44: {  	_ =	shalt  }
0x45: {  	_ =	shalt  }
0x46: {  	_ =	shalt  }
0x47: {  	_ =	shalt  }
0x48: {  	_ =	shalt  }
0x49: {  	_ =	shalt  }
0x4a: {  	_ =	shalt  }
0x4b: {  	_ =	shalt  }
0x4c: {  	_ =	shalt  }
0x4d: {  	_ =	shalt  }
0x4e: {  	_ =	shalt  }
0x4f: {  	_ =	shalt  }
0x50: {  	_ =	shalt  }
0x51: {  	_ =	shalt  }
0x52: {  	_ =	shalt  }
0x53: {  	_ =	shalt  }
0x54: {  	_ =	shalt  }
0x55: {  	_ =	shalt  }
0x56: {  	_ =	shalt  }
0x57: {  	_ =	shalt  }
0x58: {  	_ =	shalt  }
0x59: {  	_ =	shalt  }
0x5a: {  	_ =	shalt  }
0x5b: {  	_ =	shalt  }
0x5c: {  	_ =	shalt  }
0x5d: {  	_ =	shalt  }
0x5e: {  	_ =	shalt  }
0x5f: {  	_ =	shalt  }
0x60: {  	_ =	shalt  }
0x61: {  	_ =	shalt  }
0x62: {  	_ =	shalt  }
0x63: {  	_ =	shalt  }
0x64: {  	_ =	shalt  }
0x65: {  	_ =	shalt  }
0x66: {  	_ =	shalt  }
0x67: {  	_ =	shalt  }
0x68: {  	_ =	shalt  }
0x69: {  	_ =	shalt  }
0x6a: {  	_ =	shalt  }
0x6b: {  	_ =	shalt  }
0x6c: {  	_ =	shalt  }
0x6d: {  	_ =	shalt  }
0x6e: {  	_ =	shalt  }
0x6f: {  	_ =	shalt  }
0x70: {  	_ =	shalt  }
0x71: {  	_ =	shalt  }
0x72: {  	_ =	shalt  }
0x73: {  	_ =	shalt  }
0x74: {  	_ =	shalt  }
0x75: {  	_ =	shalt  }
0x76: {  	_ =	shalt  }
0x77: {  	_ =	shalt  }
0x78: {  	_ =	shalt  }
0x79: {  	_ =	shalt  }
0x7a: {  	_ =	shalt  }
0x7b: {  	_ =	shalt  }
0x7c: {  	_ =	shalt  }
0x7d: {  	_ =	shalt  }
0x7e: {  	_ =	shalt  }
0x7f: {  	_ =	shalt  }
0x80: {  	_ =	shalt  }
0x81: {  	_ =	shalt  }
0x82: {  	_ =	shalt  }
0x83: {  	_ =	shalt  }
0x84: {  	_ =	shalt  }
0x85: {  	_ =	shalt  }
0x86: {  	_ =	shalt  }
0x87: {  	_ =	shalt  }
.Lfunc_end0:
.L_simem_size_0:
called_computation.2_lowered:
.L_overlay_start_0:
0x88: {  	s2 =	sld [smem:$0x3FD9]  }
0x89: {  	s3 =	sld [smem:$0x3FFE];
	_ =	sdelay $0x1  }
0x8a: {  	s1 =	srdreg.scid  }
0x8b: {  	s0 =	sand.u32 $0x1, s1  }
0x8c: {  	s16 =	sshll.u32 s0, $0xA;
	s2 =	sadd.s32 s3, s2  }
0x8d: {  	s2 =	sadd.s32 s2, s16  }
0x8e: {  	[smem:$0x3FAF] =	sst s2  }
0x8f: {  	_ = 	snop  }
0x90: {  	(tm) =	ssettm $0x1  }
0x91: {  	s17 =	sld [smem:$0x3FFB];
	_ =	sdelay $0x3  }
0x92: {  	_ =	strace s17  }
0x93: {  	s2 =	sld [smem:$0x3FFC];
	_ =	sdelay $0x3  }
0x94: {  	_ =	strace s2  }
0x95: {  	s2 =	sld [smem:$0x3FFD];
	_ =	sdelay $0x3  }
0x96: {  	_ =	strace s2  }
0x97: {  	_ =	strace $0x8FFFFFFF  }
0x98: {  	s18 =	sld [smem:$0x3FDB];
	_ =	sdelay $0x1  }
0x99: {  	s19 =	simm.s32 $_scs_section_size  }
0x9a: {  	s4 =	simm.s32 $_size__tile_overlayer_lowered;
	s5 =	simm.s32 $_tile_overlayer_lowered  }
0x9b: {  	s22 =	simm.s32 $0x1BFF;
	s21 =	sshll.u32 s5, $0x1;
	s2 =	sadd.s32 s19, s18  }
0x9c: {  	s6 =	simm.s32 $0x0;
	s20 =	sshll.u32 s4, $0x1;
	s4 =	sadd.s32 s21, s2  }
0x9d: {  	[timem:s6], [sflag:s22] =	dma.local [hbm:s4], s20  }
0x9e: {  	_ =	swait.ge [sflag:s22], s20  }
0x9f: {  	s3 =	ssub.s32 $0x0, s20;
	[sflag:s22] =	ssyncset.done $0x0  }
0xa0: {  	[sflag:s22] =	ssyncadd.s32 s3;
	_ =	sdelay $0x1  }
0xa1: {  	s23 =	simm.s32 $0x1B8B  }
0xa2: {  	_ =	swait.ge [sflag:s23], $0x1  }
0xa3: {  	[sflag:s23] =	ssyncset.done $0x0  }
0xa4: {  	s25 =	simm.s32 $0x1B8E;
	s24 =	sld [smem:$0x3FFE];
	[sflag:s23] =	ssyncadd.s32 $0xFFFFFFFF  }
0xa5: {  	s26 =	simm.s32 $execute0_lowered;
	[smem:$0x3FD2] =	sst s25  }
0xa6: {  	s4 =	sshll.u32 s26, $0x1;
	_ =	strace $0x8000004C;
	[dreg:$0x1] =	wrdreg $0xFFFFFFFF  }
0xa7: {  	s28 =	simm.s32 $_size_execute0_lowered;
	s2 =	sadd.s32 s2, s4;
	[dreg:$0x0] =	wrdreg $0x0  }
0xa8: {  	s4 =	sshll.u32 s28, $0x1;
	[dreg:$0x2] =	wrdreg s2  }
0xa9: {  	[dreg:$0x3] =	wrdreg s4  }
0xaa: {  	[dreg:$0x4] =	wrdreg $0xC0  }
0xab: {  	_ =	task [dreg:s6], $0x5FFFF  }
0xac: {  	[dreg:$0x1] =	wrdreg $0xFFFFFFFF  }
0xad: {  	[dreg:$0x0] =	wrdreg $0x60  }
0xae: {  	[dreg:$0x2] =	wrdreg s24  }
0xaf: {  	[dreg:$0x3] =	wrdreg $0x29000  }
0xb0: {  	[dreg:$0x4] =	wrdreg $0x9  }
0xb1: {  	_ =	task.clear_ibuf [dreg:s6], $0x5FFFF;
	_ =	strace $0x9000004C  }
0xb2: {  	s29 =	simm.s32 $0x9;
	_ =	strace $0x8000004E  }
0xb3: {  	_ =	swait.ge [sflag:s29], $0x1  }
0xb4: {  	[sflag:s29] =	ssyncadd.s32 $0xFFFFFFFF  }
0xb5: {  	_ =	strace $0x9000004E  }
0xb6: {  	_ =	sfence  }
0xb7: {  	s30 =	sld [smem:$0x0];
	_ =	sdelay $0x2  }
0xb8: {  	s31 =	sshll.u32 s1, $0xD;
	s1 =	sshrl.u32 s1, $0x2  }
0xb9: {  	s3 =	sand.u32 $0x4000, s31;
	s1 =	sadd.s32 s1, s30  }
0xba: {  	s0 =	sor.u32 s3, s0;
	s1 =	sshll.u32 s1, $0x11  }
0xbb: {  	s0 =	sor.u32 s1, s0  }
0xbc: {  	s0 =	sadd.s32 $0x8F2B, s0  }
0xbd: {  	[sflag:s0] =	ssyncadd.remote.s32 $0x1  }
0xbe: {  	_ =	sfence.sel $0xFFFF  }
0xbf: {  	[dreg:$0x0] =	wrdreg $0xFFFFFFFF;
	(pc) =	sbr.abs _section_cstart, $3  }
0xc0: {  	[dreg:$0x1] =	wrdreg $0xFFFFFFFF  }
0xc1: {  	_ =	task.clear_ibuf [dreg:s6], $0x2FFFF;
	_ =	strace $0x9FFFFFFF  }
0xc2: {  	(tm) =	ssettm $0x7FFFFFFF  }
0xc3: {  	_ =	shalt  }
tec
execute0_lowered:
.L_overlay_start_1:
0x0: {  	(tag) =	ssettag $0x1  }
0x1: {  	s7 =	rddreg [dreg:$0x0]  }
0x2: {  	s2 =	rddreg [dreg:$0x1]  }
0x3: {  	s0 =	srdreg.scid;
	s1 =	rddreg [dreg:$0x2]  }
0x4: {  	s3 =	simm.s32 $0x0;
	s16 =	simm.s32 $0x50;
	s5 =	sand.u32 $0x1, s0  }
0x5: {  	s17 =	simm.s32 $0x80;
	s0 =	stileid.u32;
	s8 =	smul.u32 $0x27100, s5  }
0x6: {  	s18 =	simm.s32 $0x1;
	s19 =	simm.s32 $0x2880;
	s4 =	smul.u32 $0x2710, s0  }
0x7: {  	s20 =	simm.s32 $0x0;
	[smem:$0x7FF] =	sst s3;
	s28 =	smul.u32 $0x4E000, s0  }
0x8: {  	s9 =	sadd.s32 $0x40800, s7;
	s15 =	sadd.s32 $0x138000, s2;
	s11 =	smul.u32 $0x2700, s0  }
0x9: {  	_ =	strace $0x8000004D;
	s10 =	ssub.s32 $0x2, s5;
	s14 =	smul.u32 $0x138800, s5  }
0xa: {  	s30 =	sshll.u32 s0, $0x6;
	p0 =	sne.s32 s0, $0xF;
	s13 =	sshrl.u32 s10, $0x1  }
0xb: {  	s15 =	sshrl.u32 @!p0 s15, $0x3;
	s4 =	sadd.s32 s4, s8;
	s10 =	ssub.s32 s10, s13  }
0xc: {  	s14 =	sshrl.u32 s14, $0x3;
	s8 =	sadd.s32 s11, s8;
	s6 =	sshrl.u32 s4, $0x3  }
0xd: {  	s4 =	sadd.s32 $0x19600, s7;
	s31 =	sadd.s32 s9, s14;
	s8 =	sadd.s32 s9, s8  }
0xe: {  	s10 =	smax.u32 s10, $0x1;
	s14 =	simm.s32 $0x2;
	s12 =	sadd.s32 s6, s7  }
0xf: {  	s6 =	sshrl.u32 s28, $0x2;
	s5 =	sadd.s32 s4, s11;
	s7 =	sadd.s32 $0x40600, s7  }
0x10: {  	s9 =	sadd.s32 $0x27000, s31;
	s29 =	sadd.s32 s6, s2;
	s6 =	sor.u32 $0x1C02, s30  }
0x11: {  	s11 =	sadd.s32 $0x5A00, s12;
	s12 =	sadd.s32 $0xF800, s12;
	s13 =	sshrl.u32 s29, $0x3  }
.LBB2_1:
0x12: {  	[spmem:s13], [sflag:s6] =	dma.local [hbm:s5], $0x2700  }
0x13: {  	_ =	swait.ge [sflag:s14], $0x2700  }
0x14: {  	[sflag:s14] =	ssyncset.done $0x0  }
0x15: {  	s21 =	simm.s32 @!p0 $0x2;
	[sflag:s14] =	ssyncadd.s32 $0xFFFFD900  }
0x16: {  	[spmem:s15], [sflag:s6] =	dma.local @!p0 [hbm:s7], $0x100  }
0x17: {  	_ =	swait.ge @!p0 [sflag:s21], $0x100  }
0x18: {  	[sflag:s21] =	ssyncset.done @!p0 $0x0  }
0x19: {  	[sflag:s21] =	ssyncadd.s32 @!p0 $0xFFFFFF00  }
0x1a: {  	s30 =	sadd.s32 $0x0, s12;
	[bflag:$0x0] =	sbarrier.arrive $0xFFFF  }
0x1b: {  	[tilespmem:s3], [sflag:$0x2] =	stream.linear.gather [hbm4b:s30+s3], $0x50, $0x38;
	[tilespmem:$0x16180] =	vst v63  }
0x1c: {  	_ =	swait.ge [sflag:s14], $0x50  }
0x1d: {  	[sflag:s14] =	ssyncset.done $0x0  }
0x1e: {  	[sflag:s14] =	ssyncadd.s32 $0xFFFFFFB0  }
0x1f: {  	[tilespmem:s17], [sflag:$0x1] =	stream.indirect.gather [hbm4b:s4+s16], $0x80, s3, s16, $0xb8;
	[tilespmem:$0x16180] =	vst v63  }
0x20: {  	_ =	swait.ge [sflag:s18], $0x2800  }
0x21: {  	[sflag:s18] =	ssyncset.done $0x0  }
0x22: {  	s31 =	sadd.s32 $0x0, s11;
	[sflag:s18] =	ssyncadd.s32 $0xFFFFD800  }
0x23: {  	[tilespmem:s19], [sflag:$0x2] =	stream.linear.gather [hbm4b:s31+s3], $0x50, $0x38;
	[tilespmem:$0x16180] =	vst v63  }
0x24: {  	_ =	swait.ge [sflag:s14], $0x50  }
0x25: {  	[sflag:s14] =	ssyncset.done $0x0  }
0x26: {  	[sflag:s14] =	ssyncadd.s32 $0xFFFFFFB0  }
0x27: {  	[spmem:s2] =	stream.indirect.scatter.add.f32 [tilespmem:s17], [sflag:$0x2], $0x80, s19, s16, $0xb8;
	[tilespmem:$0x16180] =	vst v63  }
0x28: {  	_ =	swait.ge [sflag:s14], $0x2800  }
0x29: {  	s22 =	simm.s32 $0x14;
	s21 =	simm.s32 $0xA;
	[sflag:s14] =	ssyncset.done $0x0  }
.LBB2_2:
0x2a: {  	s23 =	sadd.s32 s21, s12  }
0x2b: {  	[sflag:s14] =	ssyncadd.s32 $0xFFFFD800;
	s24 =	smov.u32 s22;
	s25 =	sadd.s32 $0xA, s22  }
0x2c: {  	[tilespmem:s3], [sflag:$0x2] =	stream.linear.gather [hbm4b:s23+s3], $0x50, $0x38;
	[tilespmem:$0x16180] =	vst v63  }
0x2d: {  	p1 =	sne.s32 s22, $0x4D8;
	_ =	swait.ge [sflag:s14], $0x50  }
0x2e: {  	[sflag:s14] =	ssyncset.done $0x0  }
0x2f: {  	[sflag:s14] =	ssyncadd.s32 $0xFFFFFFB0  }
0x30: {  	[tilespmem:s17], [sflag:$0x1] =	stream.indirect.gather [hbm4b:s4+s16], $0x80, s3, s16, $0xb8;
	[tilespmem:$0x16180] =	vst v63  }
0x31: {  	_ =	swait.ge [sflag:s18], $0x2800  }
0x32: {  	[sflag:s18] =	ssyncset.done $0x0  }
0x33: {  	s22 =	sadd.s32 s21, s11;
	s21 =	smov.u32 s24;
	[sflag:s18] =	ssyncadd.s32 $0xFFFFD800  }
0x34: {  	[tilespmem:s19], [sflag:$0x2] =	stream.linear.gather [hbm4b:s22+s3], $0x50, $0x38;
	[tilespmem:$0x16180] =	vst v63  }
0x35: {  	_ =	swait.ge [sflag:s14], $0x50  }
.Ltmp0:
0x36: {  	[sflag:s14] =	ssyncset.done $0x0;
	(pc) =	sbr.rel @p1 .LBB2_2-.Ltmp0, $4  }
0x37: {  	[sflag:s14] =	ssyncadd.s32 $0xFFFFFFB0  }
0x38: {  	[spmem:s2] =	stream.indirect.scatter.add.f32 [tilespmem:s17], [sflag:$0x2], $0x80, s19, s16, $0xb8;
	[tilespmem:$0x16180] =	vst v63  }
0x39: {  	_ =	swait.ge [sflag:s14], $0x2800  }
0x3a: {  	s22 =	smov.u32 s25;
	[sflag:s14] =	ssyncset.done $0x0  }
0x3b: {  	s22 =	sadd.s32 s21, s12;
	[sflag:s14] =	ssyncadd.s32 $0xFFFFD800  }
0x3c: {  	[tilespmem:s3], [sflag:$0x2] =	stream.linear.gather [hbm4b:s22+s3], $0x50, $0x38;
	[tilespmem:$0x16180] =	vst v63  }
0x3d: {  	_ =	swait.ge [sflag:s14], $0x50  }
0x3e: {  	[sflag:s14] =	ssyncset.done $0x0  }
0x3f: {  	[sflag:s14] =	ssyncadd.s32 $0xFFFFFFB0  }
0x40: {  	[tilespmem:s17], [sflag:$0x1] =	stream.indirect.gather [hbm4b:s4+s16], $0x80, s3, s16, $0xb8;
	[tilespmem:$0x16180] =	vst v63  }
0x41: {  	_ =	swait.ge [sflag:s18], $0x2800  }
0x42: {  	[sflag:s18] =	ssyncset.done $0x0  }
0x43: {  	s31 =	sadd.s32 s21, s11;
	[sflag:s18] =	ssyncadd.s32 $0xFFFFD800  }
0x44: {  	[tilespmem:s19], [sflag:$0x2] =	stream.linear.gather [hbm4b:s31+s3], $0x50, $0x38;
	[tilespmem:$0x16180] =	vst v63  }
0x45: {  	_ =	swait.ge [sflag:s14], $0x50  }
0x46: {  	[sflag:s14] =	ssyncset.done $0x0  }
0x47: {  	[sflag:s14] =	ssyncadd.s32 $0xFFFFFFB0  }
0x48: {  	[spmem:s2] =	stream.indirect.scatter.add.f32 [tilespmem:s17], [sflag:$0x2], $0x80, s19, s16, $0xb8;
	[tilespmem:$0x16180] =	vst v63  }
0x49: {  	_ =	swait.ge [sflag:s14], $0x2800  }
0x4a: {  	[sflag:s14] =	ssyncset.done $0x0  }
0x4b: {  	[sflag:s14] =	ssyncadd.s32 $0xFFFFD800  }
0x4c: {  	[bflag:$0x0] =	sbarrier.arrive $0xFFFF  }
0x4d: {  	[hbm:s8], [sflag:s6] =	dma.local [spmem:s13], $0x2700  }
0x4e: {  	s20 =	sadd.s32 $0x1, s20;
	_ =	swait.ge [sflag:s14], $0x2700  }
0x4f: {  	p1 =	sne.s32 s20, s10;
	[sflag:s14] =	ssyncset.done $0x0  }
.Ltmp1:
0x50: {  	s21 =	simm.s32 @!p0 $0x2;
	[sflag:s14] =	ssyncadd.s32 $0xFFFFD900;
	(pc) =	sbr.rel @p1 .LBB2_1-.Ltmp1, $4  }
0x51: {  	[hbm:s9], [sflag:s6] =	dma.local @!p0 [spmem:s15], $0x100  }
0x52: {  	_ =	swait.ge @!p0 [sflag:s21], $0x100  }
0x53: {  	[sflag:s21] =	ssyncset.done @!p0 $0x0  }
0x54: {  	[sflag:s21] =	ssyncadd.s32 @!p0 $0xFFFFFF00  }
0x55: {  	_ =	sfence.sel $0x180000  }
0x56: {  	[bflag:$0x0] =	sbarrier.arrive $0xFFFF  }
0x57: {  	p0 =	sne.s32 s0, $0x0;
	_ =	strace $0x9000004D  }
0x58: {  	s0 =	sadd.s32 @!p0 $0x100000, s1;
	[bflag:$0x2] =	sbarrier.arrive $0xFFFF  }
0x59: {  	[sflag:s0] =	ssyncadd.tile.s32 @!p0 $0x1;
	_ =	shalt  }
.Lfunc_end2:
_tile_overlayer_lowered:
.L_overlay_start_2:
0x5a: {  	(tag) =	ssettag $0x2  }
0x5b: {  	s0 =	rddreg [dreg:$0x0];
	s2 =	stileid.u32  }
0x5c: {  	s1 =	rddreg [dreg:$0x1];
	p0 =	sne.s32 s2, $0x0  }
0x5d: {  	s3 =	rddreg [dreg:$0x2];
	[bflag:$0x3] =	sbarrier.arrive $0xFFFF;
	s2 =	simm.s32 @!p0 $0x1C02  }
0x5e: {  	[timem:s3], [sflag:s2] =	dma.local @!p0 [hbm:s0], s1  }
0x5f: {  	s0 =	simm.s32 @!p0 $0x2  }
0x60: {  	_ =	swait.ge @!p0 [sflag:s0], s1  }
0x61: {  	s1 =	ssub.s32 @!p0 $0x0, s1;
	[sflag:s0] =	ssyncset.done @!p0 $0x0  }
0x62: {  	[sflag:s0] =	ssyncadd.s32 @!p0 s1  }
0x63: {  	[bflag:$0x3] =	sbarrier.arrive $0xFFFF  }
0x64: {  	_ =	shalt  }

// kernel: gin_edge_agg_sc.16.cloned.1.call-start
scs
__scs_entry_jumppad:
0x0: {  	(pc) =	sbr.rel $0x88, $3  }
0x1: {  	(tag) =	ssettag $0x0;
	lr =	simm.s32 $0x1  }
0x2: {  	[smem:$0x3F88] =	sst lr;
	_ =	strace $0xD0000000  }
0x3: {  	_ = 	snop  }
0x4: {  	_ = 	snop  }
0x5: {  	_ = 	snop  }
0x6: {  	_ = 	snop  }
0x7: {  	_ = 	snop  }
__scs_overlays_trampoline_lowered:
0x8: {  	[smem:$0x3F97] =	sst s0  }
0x9: {  	[smem:$0x3F98] =	sst s1  }
0xa: {  	[smem:$0x3F99] =	sst s2  }
0xb: {  	[smem:$0x3F9A] =	sst s3  }
0xc: {  	[smem:$0x3F9B] =	sst s4  }
0xd: {  	[smem:$0x3F9C] =	sst s5  }
0xe: {  	[smem:$0x3F9D] =	sst s6  }
0xf: {  	[smem:$0x3F9E] =	sst s7  }
0x10: {  	[smem:$0x3F9F] =	sst s8  }
0x11: {  	[smem:$0x3FA0] =	sst s9;
	s0 =	simm.s32 @!p0 $0x0  }
0x12: {  	s1 =	sld [smem:$0x3F86];
	s0 =	simm.s32 @p0 $0x1  }
0x13: {  	[smem:$0x3FA1] =	sst s0;
	s0 =	simm.s32 @!p1 $0x0  }
0x14: {  	s2 =	sld [smem:$0x3F85];
	s0 =	simm.s32 @p1 $0x1  }
0x15: {  	[smem:$0x3FA2] =	sst s0;
	s0 =	simm.s32 @!p2 $0x0  }
0x16: {  	s3 =	sld [smem:$0x3FDB];
	s0 =	simm.s32 @p2 $0x1  }
0x17: {  	s4 =	simm.s32 $0x1BF5;
	[smem:$0x3FA4] =	sst s0  }
0x18: {  	s0 =	sld [smem:$0x3F87];
	_ =	swait.ge [sflag:s4], $0x0  }
0x19: {  	s7 =	sld [smem:$0x3F88]  }
0x1a: {  	s8 =	sadd.s32 $0xFFFFE003, lr  }
0x1b: {  	s9 =	sadd.s32 $0xFFFFFEF7, lr;
	s5 =	simm.s32 $0xFFFFFFFF;
	p2 =	slt.u32 s8, $0xFFFFF086  }
0x1c: {  	p1 =	slt.u32 s9, $0xF7A;
	s5 =	simm.s32 @!p2 $0x0  }
0x1d: {  	s5 =	simm.s32 @p1 $0x1;
	p0 =	seq.s32 s7, s2  }
0x1e: {  	s7 =	smul.u32 @!p0 $0xF7A, s2;
	p2 =	seq.s32 @!p0 s5, $0x0  }
0x1f: {  	s9 =	smul.u32 $0xF7A, s1;
	s8 =	simm.s32 @!p0 $0x1BF5;
	p2 =	por !p2, p0  }
0x20: {  	[sflag:s8] =	ssyncset.s32 @!p0 $0xFFFFF086;
	s6 =	sadd.s32 @!p0 s3, s7;
	s7 =	simm.s32 @!p0 $0x108  }
0x21: {  	s3 =	sadd.s32 s3, s9;
	s6 =	sadd.s32 @!p0 $0x88, s6;
	s7 =	simm.s32 @p2 $0x1082  }
0x22: {  	[simem:s7], [sflag:s8] =	dma.local @!p0 [hbm:s6], $0xF7A  }
0x23: {  	s9 =	sor.u32 $0xD0000000, s2;
	s6 =	simm.s32 $0x108;
	_ =	swait.ge @!p0 [sflag:s8], $0x0  }
0x24: {  	s3 =	sadd.s32 $0x88, s3;
	s6 =	simm.s32 @!p1 $0x1082;
	[sflag:s4] =	ssyncset.s32 $0xFFFFF086  }
0x25: {  	[simem:s6], [sflag:s4] =	dma.local [hbm:s3], $0xF7A  }
0x26: {  	[smem:$0x3F88] =	sst s1;
	(tag) =	ssettag s2;
	_ =	strace s9  }
0x27: {  	s1 =	sld [smem:$0x3F98]  }
0x28: {  	s2 =	sld [smem:$0x3F99]  }
0x29: {  	s4 =	sld [smem:$0x3F9B]  }
0x2a: {  	p0 =	seq.s32 s5, $0x0;
	s5 =	sld [smem:$0x3F9C]  }
0x2b: {  	s6 =	sld [smem:$0x3F9D]  }
0x2c: {  	s7 =	sld [smem:$0x3F9E]  }
0x2d: {  	s3 =	simm.s32 $0x108;
	s8 =	sld [smem:$0x3F9F]  }
0x2e: {  	s3 =	simm.s32 @!p0 $0x1082;
	s9 =	sld [smem:$0x3FA0]  }
0x2f: {  	lr =	sadd.s32 s0, s3;
	s0 =	sld [smem:$0x3F97]  }
0x30: {  	s3 =	sld [smem:$0x3F9A]  }
0x31: {  	[smem:$0x3FA3] =	sst s10  }
0x32: {  	s10 =	sld [smem:$0x3FA1];
	_ =	sdelay $0x3  }
0x33: {  	p0 =	seq.s32 s10, $0x1;
	s10 =	sld [smem:$0x3FA3];
	_ =	sdelay $0x3  }
0x34: {  	[smem:$0x3FA3] =	sst s10  }
0x35: {  	s10 =	sld [smem:$0x3FA2];
	_ =	sdelay $0x3  }
0x36: {  	p1 =	seq.s32 s10, $0x1;
	s10 =	sld [smem:$0x3FA3];
	_ =	sdelay $0x3  }
0x37: {  	[smem:$0x3FA3] =	sst s10  }
0x38: {  	s10 =	sld [smem:$0x3FA4]  }
0x39: {  	_ = 	snop;
	(pc) =	sbr.ind lr, $3  }
0x3a: {  	_ = 	snop  }
0x3b: {  	_ = 	snop  }
0x3c: {  	p2 =	seq.s32 s10, $0x1;
	s10 =	sld [smem:$0x3FA3]  }
0x3d: {  	_ =	shalt  }
0x3e: {  	_ =	shalt  }
0x3f: {  	_ =	shalt  }
0x40: {  	_ =	shalt  }
0x41: {  	_ =	shalt  }
0x42: {  	_ =	shalt  }
0x43: {  	_ =	shalt  }
0x44: {  	_ =	shalt  }
0x45: {  	_ =	shalt  }
0x46: {  	_ =	shalt  }
0x47: {  	_ =	shalt  }
0x48: {  	_ =	shalt  }
0x49: {  	_ =	shalt  }
0x4a: {  	_ =	shalt  }
0x4b: {  	_ =	shalt  }
0x4c: {  	_ =	shalt  }
0x4d: {  	_ =	shalt  }
0x4e: {  	_ =	shalt  }
0x4f: {  	_ =	shalt  }
0x50: {  	_ =	shalt  }
0x51: {  	_ =	shalt  }
0x52: {  	_ =	shalt  }
0x53: {  	_ =	shalt  }
0x54: {  	_ =	shalt  }
0x55: {  	_ =	shalt  }
0x56: {  	_ =	shalt  }
0x57: {  	_ =	shalt  }
0x58: {  	_ =	shalt  }
0x59: {  	_ =	shalt  }
0x5a: {  	_ =	shalt  }
0x5b: {  	_ =	shalt  }
0x5c: {  	_ =	shalt  }
0x5d: {  	_ =	shalt  }
0x5e: {  	_ =	shalt  }
0x5f: {  	_ =	shalt  }
0x60: {  	_ =	shalt  }
0x61: {  	_ =	shalt  }
0x62: {  	_ =	shalt  }
0x63: {  	_ =	shalt  }
0x64: {  	_ =	shalt  }
0x65: {  	_ =	shalt  }
0x66: {  	_ =	shalt  }
0x67: {  	_ =	shalt  }
0x68: {  	_ =	shalt  }
0x69: {  	_ =	shalt  }
0x6a: {  	_ =	shalt  }
0x6b: {  	_ =	shalt  }
0x6c: {  	_ =	shalt  }
0x6d: {  	_ =	shalt  }
0x6e: {  	_ =	shalt  }
0x6f: {  	_ =	shalt  }
0x70: {  	_ =	shalt  }
0x71: {  	_ =	shalt  }
0x72: {  	_ =	shalt  }
0x73: {  	_ =	shalt  }
0x74: {  	_ =	shalt  }
0x75: {  	_ =	shalt  }
0x76: {  	_ =	shalt  }
0x77: {  	_ =	shalt  }
0x78: {  	_ =	shalt  }
0x79: {  	_ =	shalt  }
0x7a: {  	_ =	shalt  }
0x7b: {  	_ =	shalt  }
0x7c: {  	_ =	shalt  }
0x7d: {  	_ =	shalt  }
0x7e: {  	_ =	shalt  }
0x7f: {  	_ =	shalt  }
0x80: {  	_ =	shalt  }
0x81: {  	_ =	shalt  }
0x82: {  	_ =	shalt  }
0x83: {  	_ =	shalt  }
0x84: {  	_ =	shalt  }
0x85: {  	_ =	shalt  }
0x86: {  	_ =	shalt  }
0x87: {  	_ =	shalt  }
.Lfunc_end0:
.L_simem_size_0:
called_computation.3_lowered:
.L_overlay_start_0:
0x88: {  	s2 =	sld [smem:$0x3FD9]  }
0x89: {  	s3 =	sld [smem:$0x3FFE];
	_ =	sdelay $0x1  }
0x8a: {  	s1 =	srdreg.scid  }
0x8b: {  	s0 =	sand.u32 $0x1, s1  }
0x8c: {  	s16 =	sshll.u32 s0, $0xA;
	s2 =	sadd.s32 s3, s2  }
0x8d: {  	s2 =	sadd.s32 s2, s16  }
0x8e: {  	[smem:$0x3FAF] =	sst s2  }
0x8f: {  	_ = 	snop  }
0x90: {  	(tm) =	ssettm $0x1  }
0x91: {  	s17 =	sld [smem:$0x3FFB];
	_ =	sdelay $0x3  }
0x92: {  	_ =	strace s17  }
0x93: {  	s2 =	sld [smem:$0x3FFC];
	_ =	sdelay $0x3  }
0x94: {  	_ =	strace s2  }
0x95: {  	s2 =	sld [smem:$0x3FFD];
	_ =	sdelay $0x3  }
0x96: {  	_ =	strace s2  }
0x97: {  	_ =	strace $0x8FFFFFFF  }
0x98: {  	s18 =	sld [smem:$0x3FDB];
	_ =	sdelay $0x1  }
0x99: {  	s19 =	simm.s32 $_scs_section_size  }
0x9a: {  	s4 =	simm.s32 $_size__tile_overlayer_lowered;
	s5 =	simm.s32 $_tile_overlayer_lowered  }
0x9b: {  	s22 =	simm.s32 $0x1BFF;
	s21 =	sshll.u32 s5, $0x1;
	s2 =	sadd.s32 s19, s18  }
0x9c: {  	s6 =	simm.s32 $0x0;
	s20 =	sshll.u32 s4, $0x1;
	s4 =	sadd.s32 s21, s2  }
0x9d: {  	[timem:s6], [sflag:s22] =	dma.local [hbm:s4], s20  }
0x9e: {  	_ =	swait.ge [sflag:s22], s20  }
0x9f: {  	s3 =	ssub.s32 $0x0, s20;
	[sflag:s22] =	ssyncset.done $0x0  }
0xa0: {  	[sflag:s22] =	ssyncadd.s32 s3;
	_ =	sdelay $0x1  }
0xa1: {  	s23 =	simm.s32 $0x1B8B  }
0xa2: {  	_ =	swait.ge [sflag:s23], $0x1  }
0xa3: {  	[sflag:s23] =	ssyncset.done $0x0  }
0xa4: {  	s25 =	simm.s32 $0x1B8E;
	s24 =	sld [smem:$0x3FFE];
	[sflag:s23] =	ssyncadd.s32 $0xFFFFFFFF  }
0xa5: {  	s26 =	simm.s32 $execute0_lowered;
	[smem:$0x3FD2] =	sst s25  }
0xa6: {  	s4 =	sshll.u32 s26, $0x1;
	_ =	strace $0x8000004F;
	[dreg:$0x1] =	wrdreg $0xFFFFFFFF  }
0xa7: {  	s28 =	simm.s32 $_size_execute0_lowered;
	s2 =	sadd.s32 s2, s4;
	[dreg:$0x0] =	wrdreg $0x0  }
0xa8: {  	s4 =	sshll.u32 s28, $0x1;
	[dreg:$0x2] =	wrdreg s2  }
0xa9: {  	[dreg:$0x3] =	wrdreg s4  }
0xaa: {  	[dreg:$0x4] =	wrdreg $0xC0  }
0xab: {  	_ =	task [dreg:s6], $0x5FFFF  }
0xac: {  	[dreg:$0x1] =	wrdreg $0xFFFFFFFF  }
0xad: {  	[dreg:$0x0] =	wrdreg $0x60  }
0xae: {  	[dreg:$0x2] =	wrdreg s24  }
0xaf: {  	[dreg:$0x3] =	wrdreg $0x29000  }
0xb0: {  	[dreg:$0x4] =	wrdreg $0x9  }
0xb1: {  	_ =	task.clear_ibuf [dreg:s6], $0x5FFFF;
	_ =	strace $0x9000004F  }
0xb2: {  	s29 =	simm.s32 $0x9;
	_ =	strace $0x80000051  }
0xb3: {  	_ =	swait.ge [sflag:s29], $0x1  }
0xb4: {  	[sflag:s29] =	ssyncadd.s32 $0xFFFFFFFF  }
0xb5: {  	_ =	strace $0x90000051  }
0xb6: {  	_ =	sfence  }
0xb7: {  	s30 =	sld [smem:$0x0];
	_ =	sdelay $0x2  }
0xb8: {  	s31 =	sshll.u32 s1, $0xD;
	s1 =	sshrl.u32 s1, $0x2  }
0xb9: {  	s3 =	sand.u32 $0x4000, s31;
	s1 =	sadd.s32 s1, s30  }
0xba: {  	s0 =	sor.u32 s3, s0;
	s1 =	sshll.u32 s1, $0x11  }
0xbb: {  	s0 =	sor.u32 s1, s0  }
0xbc: {  	s0 =	sadd.s32 $0x8F2B, s0  }
0xbd: {  	[sflag:s0] =	ssyncadd.remote.s32 $0x1  }
0xbe: {  	_ =	sfence.sel $0xFFFF  }
0xbf: {  	[dreg:$0x0] =	wrdreg $0xFFFFFFFF;
	(pc) =	sbr.abs _section_cstart, $3  }
0xc0: {  	[dreg:$0x1] =	wrdreg $0xFFFFFFFF  }
0xc1: {  	_ =	task.clear_ibuf [dreg:s6], $0x2FFFF;
	_ =	strace $0x9FFFFFFF  }
0xc2: {  	(tm) =	ssettm $0x7FFFFFFF  }
0xc3: {  	_ =	shalt  }
tec
execute0_lowered:
.L_overlay_start_1:
0x0: {  	(tag) =	ssettag $0x1  }
0x1: {  	s7 =	rddreg [dreg:$0x0]  }
0x2: {  	s2 =	rddreg [dreg:$0x1]  }
0x3: {  	s0 =	srdreg.scid;
	s1 =	rddreg [dreg:$0x2]  }
0x4: {  	s3 =	simm.s32 $0x0;
	s16 =	simm.s32 $0x50;
	s5 =	sand.u32 $0x1, s0  }
0x5: {  	s17 =	simm.s32 $0x80;
	s0 =	stileid.u32;
	s8 =	smul.u32 $0x27100, s5  }
0x6: {  	s18 =	simm.s32 $0x1;
	s19 =	simm.s32 $0x2880;
	s4 =	smul.u32 $0x2710, s0  }
0x7: {  	s20 =	simm.s32 $0x0;
	[smem:$0x7FF] =	sst s3;
	s28 =	smul.u32 $0x4E000, s0  }
0x8: {  	s9 =	sadd.s32 $0x40800, s7;
	s15 =	sadd.s32 $0x138000, s2;
	s11 =	smul.u32 $0x2700, s0  }
0x9: {  	_ =	strace $0x80000050;
	s10 =	ssub.s32 $0x2, s5;
	s14 =	smul.u32 $0x138800, s5  }
0xa: {  	s30 =	sshll.u32 s0, $0x6;
	p0 =	sne.s32 s0, $0xF;
	s13 =	sshrl.u32 s10, $0x1  }
0xb: {  	s15 =	sshrl.u32 @!p0 s15, $0x3;
	s4 =	sadd.s32 s4, s8;
	s10 =	ssub.s32 s10, s13  }
0xc: {  	s14 =	sshrl.u32 s14, $0x3;
	s8 =	sadd.s32 s11, s8;
	s6 =	sshrl.u32 s4, $0x3  }
0xd: {  	s4 =	sadd.s32 $0x19600, s7;
	s31 =	sadd.s32 s9, s14;
	s8 =	sadd.s32 s9, s8  }
0xe: {  	s10 =	smax.u32 s10, $0x1;
	s14 =	simm.s32 $0x2;
	s12 =	sadd.s32 s6, s7  }
0xf: {  	s6 =	sshrl.u32 s28, $0x2;
	s5 =	sadd.s32 s4, s11;
	s7 =	sadd.s32 $0x40600, s7  }
0x10: {  	s9 =	sadd.s32 $0x27000, s31;
	s29 =	sadd.s32 s6, s2;
	s6 =	sor.u32 $0x1C02, s30  }
0x11: {  	s11 =	sadd.s32 $0x5A00, s12;
	s12 =	sadd.s32 $0xF800, s12;
	s13 =	sshrl.u32 s29, $0x3  }
.LBB2_1:
0x12: {  	[spmem:s13], [sflag:s6] =	dma.local [hbm:s5], $0x2700  }
0x13: {  	_ =	swait.ge [sflag:s14], $0x2700  }
0x14: {  	[sflag:s14] =	ssyncset.done $0x0  }
0x15: {  	s21 =	simm.s32 @!p0 $0x2;
	[sflag:s14] =	ssyncadd.s32 $0xFFFFD900  }
0x16: {  	[spmem:s15], [sflag:s6] =	dma.local @!p0 [hbm:s7], $0x100  }
0x17: {  	_ =	swait.ge @!p0 [sflag:s21], $0x100  }
0x18: {  	[sflag:s21] =	ssyncset.done @!p0 $0x0  }
0x19: {  	[sflag:s21] =	ssyncadd.s32 @!p0 $0xFFFFFF00  }
0x1a: {  	s30 =	sadd.s32 $0x0, s12;
	[bflag:$0x0] =	sbarrier.arrive $0xFFFF  }
0x1b: {  	[tilespmem:s3], [sflag:$0x2] =	stream.linear.gather [hbm4b:s30+s3], $0x50, $0x38;
	[tilespmem:$0x16180] =	vst v63  }
0x1c: {  	_ =	swait.ge [sflag:s14], $0x50  }
0x1d: {  	[sflag:s14] =	ssyncset.done $0x0  }
0x1e: {  	[sflag:s14] =	ssyncadd.s32 $0xFFFFFFB0  }
0x1f: {  	[tilespmem:s17], [sflag:$0x1] =	stream.indirect.gather [hbm4b:s4+s16], $0x80, s3, s16, $0xb8;
	[tilespmem:$0x16180] =	vst v63  }
0x20: {  	_ =	swait.ge [sflag:s18], $0x2800  }
0x21: {  	[sflag:s18] =	ssyncset.done $0x0  }
0x22: {  	s31 =	sadd.s32 $0x0, s11;
	[sflag:s18] =	ssyncadd.s32 $0xFFFFD800  }
0x23: {  	[tilespmem:s19], [sflag:$0x2] =	stream.linear.gather [hbm4b:s31+s3], $0x50, $0x38;
	[tilespmem:$0x16180] =	vst v63  }
0x24: {  	_ =	swait.ge [sflag:s14], $0x50  }
0x25: {  	[sflag:s14] =	ssyncset.done $0x0  }
0x26: {  	[sflag:s14] =	ssyncadd.s32 $0xFFFFFFB0  }
0x27: {  	[spmem:s2] =	stream.indirect.scatter.add.f32 [tilespmem:s17], [sflag:$0x2], $0x80, s19, s16, $0xb8;
	[tilespmem:$0x16180] =	vst v63  }
0x28: {  	_ =	swait.ge [sflag:s14], $0x2800  }
0x29: {  	s22 =	simm.s32 $0x14;
	s21 =	simm.s32 $0xA;
	[sflag:s14] =	ssyncset.done $0x0  }
.LBB2_2:
0x2a: {  	s23 =	sadd.s32 s21, s12  }
0x2b: {  	[sflag:s14] =	ssyncadd.s32 $0xFFFFD800;
	s24 =	smov.u32 s22;
	s25 =	sadd.s32 $0xA, s22  }
0x2c: {  	[tilespmem:s3], [sflag:$0x2] =	stream.linear.gather [hbm4b:s23+s3], $0x50, $0x38;
	[tilespmem:$0x16180] =	vst v63  }
0x2d: {  	p1 =	sne.s32 s22, $0x4D8;
	_ =	swait.ge [sflag:s14], $0x50  }
0x2e: {  	[sflag:s14] =	ssyncset.done $0x0  }
0x2f: {  	[sflag:s14] =	ssyncadd.s32 $0xFFFFFFB0  }
0x30: {  	[tilespmem:s17], [sflag:$0x1] =	stream.indirect.gather [hbm4b:s4+s16], $0x80, s3, s16, $0xb8;
	[tilespmem:$0x16180] =	vst v63  }
0x31: {  	_ =	swait.ge [sflag:s18], $0x2800  }
0x32: {  	[sflag:s18] =	ssyncset.done $0x0  }
0x33: {  	s22 =	sadd.s32 s21, s11;
	s21 =	smov.u32 s24;
	[sflag:s18] =	ssyncadd.s32 $0xFFFFD800  }
0x34: {  	[tilespmem:s19], [sflag:$0x2] =	stream.linear.gather [hbm4b:s22+s3], $0x50, $0x38;
	[tilespmem:$0x16180] =	vst v63  }
0x35: {  	_ =	swait.ge [sflag:s14], $0x50  }
.Ltmp0:
0x36: {  	[sflag:s14] =	ssyncset.done $0x0;
	(pc) =	sbr.rel @p1 .LBB2_2-.Ltmp0, $4  }
0x37: {  	[sflag:s14] =	ssyncadd.s32 $0xFFFFFFB0  }
0x38: {  	[spmem:s2] =	stream.indirect.scatter.add.f32 [tilespmem:s17], [sflag:$0x2], $0x80, s19, s16, $0xb8;
	[tilespmem:$0x16180] =	vst v63  }
0x39: {  	_ =	swait.ge [sflag:s14], $0x2800  }
0x3a: {  	s22 =	smov.u32 s25;
	[sflag:s14] =	ssyncset.done $0x0  }
0x3b: {  	s22 =	sadd.s32 s21, s12;
	[sflag:s14] =	ssyncadd.s32 $0xFFFFD800  }
0x3c: {  	[tilespmem:s3], [sflag:$0x2] =	stream.linear.gather [hbm4b:s22+s3], $0x50, $0x38;
	[tilespmem:$0x16180] =	vst v63  }
0x3d: {  	_ =	swait.ge [sflag:s14], $0x50  }
0x3e: {  	[sflag:s14] =	ssyncset.done $0x0  }
0x3f: {  	[sflag:s14] =	ssyncadd.s32 $0xFFFFFFB0  }
0x40: {  	[tilespmem:s17], [sflag:$0x1] =	stream.indirect.gather [hbm4b:s4+s16], $0x80, s3, s16, $0xb8;
	[tilespmem:$0x16180] =	vst v63  }
0x41: {  	_ =	swait.ge [sflag:s18], $0x2800  }
0x42: {  	[sflag:s18] =	ssyncset.done $0x0  }
0x43: {  	s31 =	sadd.s32 s21, s11;
	[sflag:s18] =	ssyncadd.s32 $0xFFFFD800  }
0x44: {  	[tilespmem:s19], [sflag:$0x2] =	stream.linear.gather [hbm4b:s31+s3], $0x50, $0x38;
	[tilespmem:$0x16180] =	vst v63  }
0x45: {  	_ =	swait.ge [sflag:s14], $0x50  }
0x46: {  	[sflag:s14] =	ssyncset.done $0x0  }
0x47: {  	[sflag:s14] =	ssyncadd.s32 $0xFFFFFFB0  }
0x48: {  	[spmem:s2] =	stream.indirect.scatter.add.f32 [tilespmem:s17], [sflag:$0x2], $0x80, s19, s16, $0xb8;
	[tilespmem:$0x16180] =	vst v63  }
0x49: {  	_ =	swait.ge [sflag:s14], $0x2800  }
0x4a: {  	[sflag:s14] =	ssyncset.done $0x0  }
0x4b: {  	[sflag:s14] =	ssyncadd.s32 $0xFFFFD800  }
0x4c: {  	[bflag:$0x0] =	sbarrier.arrive $0xFFFF  }
0x4d: {  	[hbm:s8], [sflag:s6] =	dma.local [spmem:s13], $0x2700  }
0x4e: {  	s20 =	sadd.s32 $0x1, s20;
	_ =	swait.ge [sflag:s14], $0x2700  }
0x4f: {  	p1 =	sne.s32 s20, s10;
	[sflag:s14] =	ssyncset.done $0x0  }
.Ltmp1:
0x50: {  	s21 =	simm.s32 @!p0 $0x2;
	[sflag:s14] =	ssyncadd.s32 $0xFFFFD900;
	(pc) =	sbr.rel @p1 .LBB2_1-.Ltmp1, $4  }
0x51: {  	[hbm:s9], [sflag:s6] =	dma.local @!p0 [spmem:s15], $0x100  }
0x52: {  	_ =	swait.ge @!p0 [sflag:s21], $0x100  }
0x53: {  	[sflag:s21] =	ssyncset.done @!p0 $0x0  }
0x54: {  	[sflag:s21] =	ssyncadd.s32 @!p0 $0xFFFFFF00  }
0x55: {  	_ =	sfence.sel $0x180000  }
0x56: {  	[bflag:$0x0] =	sbarrier.arrive $0xFFFF  }
0x57: {  	p0 =	sne.s32 s0, $0x0;
	_ =	strace $0x90000050  }
0x58: {  	s0 =	sadd.s32 @!p0 $0x100000, s1;
	[bflag:$0x2] =	sbarrier.arrive $0xFFFF  }
0x59: {  	[sflag:s0] =	ssyncadd.tile.s32 @!p0 $0x1;
	_ =	shalt  }
.Lfunc_end2:
_tile_overlayer_lowered:
.L_overlay_start_2:
0x5a: {  	(tag) =	ssettag $0x2  }
0x5b: {  	s0 =	rddreg [dreg:$0x0];
	s2 =	stileid.u32  }
0x5c: {  	s1 =	rddreg [dreg:$0x1];
	p0 =	sne.s32 s2, $0x0  }
0x5d: {  	s3 =	rddreg [dreg:$0x2];
	[bflag:$0x3] =	sbarrier.arrive $0xFFFF;
	s2 =	simm.s32 @!p0 $0x1C02  }
0x5e: {  	[timem:s3], [sflag:s2] =	dma.local @!p0 [hbm:s0], s1  }
0x5f: {  	s0 =	simm.s32 @!p0 $0x2  }
0x60: {  	_ =	swait.ge @!p0 [sflag:s0], s1  }
0x61: {  	s1 =	ssub.s32 @!p0 $0x0, s1;
	[sflag:s0] =	ssyncset.done @!p0 $0x0  }
0x62: {  	[sflag:s0] =	ssyncadd.s32 @!p0 s1  }
0x63: {  	[bflag:$0x3] =	sbarrier.arrive $0xFFFF  }
0x64: {  	_ =	shalt  }

// kernel: gin_edge_agg_sc.19.cloned.1.call-start
scs
__scs_entry_jumppad:
0x0: {  	(pc) =	sbr.rel $0x88, $3  }
0x1: {  	(tag) =	ssettag $0x0;
	lr =	simm.s32 $0x1  }
0x2: {  	[smem:$0x3F88] =	sst lr;
	_ =	strace $0xD0000000  }
0x3: {  	_ = 	snop  }
0x4: {  	_ = 	snop  }
0x5: {  	_ = 	snop  }
0x6: {  	_ = 	snop  }
0x7: {  	_ = 	snop  }
__scs_overlays_trampoline_lowered:
0x8: {  	[smem:$0x3F97] =	sst s0  }
0x9: {  	[smem:$0x3F98] =	sst s1  }
0xa: {  	[smem:$0x3F99] =	sst s2  }
0xb: {  	[smem:$0x3F9A] =	sst s3  }
0xc: {  	[smem:$0x3F9B] =	sst s4  }
0xd: {  	[smem:$0x3F9C] =	sst s5  }
0xe: {  	[smem:$0x3F9D] =	sst s6  }
0xf: {  	[smem:$0x3F9E] =	sst s7  }
0x10: {  	[smem:$0x3F9F] =	sst s8  }
0x11: {  	[smem:$0x3FA0] =	sst s9;
	s0 =	simm.s32 @!p0 $0x0  }
0x12: {  	s1 =	sld [smem:$0x3F86];
	s0 =	simm.s32 @p0 $0x1  }
0x13: {  	[smem:$0x3FA1] =	sst s0;
	s0 =	simm.s32 @!p1 $0x0  }
0x14: {  	s2 =	sld [smem:$0x3F85];
	s0 =	simm.s32 @p1 $0x1  }
0x15: {  	[smem:$0x3FA2] =	sst s0;
	s0 =	simm.s32 @!p2 $0x0  }
0x16: {  	s3 =	sld [smem:$0x3FDB];
	s0 =	simm.s32 @p2 $0x1  }
0x17: {  	s4 =	simm.s32 $0x1BF5;
	[smem:$0x3FA4] =	sst s0  }
0x18: {  	s0 =	sld [smem:$0x3F87];
	_ =	swait.ge [sflag:s4], $0x0  }
0x19: {  	s7 =	sld [smem:$0x3F88]  }
0x1a: {  	s8 =	sadd.s32 $0xFFFFE003, lr  }
0x1b: {  	s9 =	sadd.s32 $0xFFFFFEF7, lr;
	s5 =	simm.s32 $0xFFFFFFFF;
	p2 =	slt.u32 s8, $0xFFFFF086  }
0x1c: {  	p1 =	slt.u32 s9, $0xF7A;
	s5 =	simm.s32 @!p2 $0x0  }
0x1d: {  	s5 =	simm.s32 @p1 $0x1;
	p0 =	seq.s32 s7, s2  }
0x1e: {  	s7 =	smul.u32 @!p0 $0xF7A, s2;
	p2 =	seq.s32 @!p0 s5, $0x0  }
0x1f: {  	s9 =	smul.u32 $0xF7A, s1;
	s8 =	simm.s32 @!p0 $0x1BF5;
	p2 =	por !p2, p0  }
0x20: {  	[sflag:s8] =	ssyncset.s32 @!p0 $0xFFFFF086;
	s6 =	sadd.s32 @!p0 s3, s7;
	s7 =	simm.s32 @!p0 $0x108  }
0x21: {  	s3 =	sadd.s32 s3, s9;
	s6 =	sadd.s32 @!p0 $0x88, s6;
	s7 =	simm.s32 @p2 $0x1082  }
0x22: {  	[simem:s7], [sflag:s8] =	dma.local @!p0 [hbm:s6], $0xF7A  }
0x23: {  	s9 =	sor.u32 $0xD0000000, s2;
	s6 =	simm.s32 $0x108;
	_ =	swait.ge @!p0 [sflag:s8], $0x0  }
0x24: {  	s3 =	sadd.s32 $0x88, s3;
	s6 =	simm.s32 @!p1 $0x1082;
	[sflag:s4] =	ssyncset.s32 $0xFFFFF086  }
0x25: {  	[simem:s6], [sflag:s4] =	dma.local [hbm:s3], $0xF7A  }
0x26: {  	[smem:$0x3F88] =	sst s1;
	(tag) =	ssettag s2;
	_ =	strace s9  }
0x27: {  	s1 =	sld [smem:$0x3F98]  }
0x28: {  	s2 =	sld [smem:$0x3F99]  }
0x29: {  	s4 =	sld [smem:$0x3F9B]  }
0x2a: {  	p0 =	seq.s32 s5, $0x0;
	s5 =	sld [smem:$0x3F9C]  }
0x2b: {  	s6 =	sld [smem:$0x3F9D]  }
0x2c: {  	s7 =	sld [smem:$0x3F9E]  }
0x2d: {  	s3 =	simm.s32 $0x108;
	s8 =	sld [smem:$0x3F9F]  }
0x2e: {  	s3 =	simm.s32 @!p0 $0x1082;
	s9 =	sld [smem:$0x3FA0]  }
0x2f: {  	lr =	sadd.s32 s0, s3;
	s0 =	sld [smem:$0x3F97]  }
0x30: {  	s3 =	sld [smem:$0x3F9A]  }
0x31: {  	[smem:$0x3FA3] =	sst s10  }
0x32: {  	s10 =	sld [smem:$0x3FA1];
	_ =	sdelay $0x3  }
0x33: {  	p0 =	seq.s32 s10, $0x1;
	s10 =	sld [smem:$0x3FA3];
	_ =	sdelay $0x3  }
0x34: {  	[smem:$0x3FA3] =	sst s10  }
0x35: {  	s10 =	sld [smem:$0x3FA2];
	_ =	sdelay $0x3  }
0x36: {  	p1 =	seq.s32 s10, $0x1;
	s10 =	sld [smem:$0x3FA3];
	_ =	sdelay $0x3  }
0x37: {  	[smem:$0x3FA3] =	sst s10  }
0x38: {  	s10 =	sld [smem:$0x3FA4]  }
0x39: {  	_ = 	snop;
	(pc) =	sbr.ind lr, $3  }
0x3a: {  	_ = 	snop  }
0x3b: {  	_ = 	snop  }
0x3c: {  	p2 =	seq.s32 s10, $0x1;
	s10 =	sld [smem:$0x3FA3]  }
0x3d: {  	_ =	shalt  }
0x3e: {  	_ =	shalt  }
0x3f: {  	_ =	shalt  }
0x40: {  	_ =	shalt  }
0x41: {  	_ =	shalt  }
0x42: {  	_ =	shalt  }
0x43: {  	_ =	shalt  }
0x44: {  	_ =	shalt  }
0x45: {  	_ =	shalt  }
0x46: {  	_ =	shalt  }
0x47: {  	_ =	shalt  }
0x48: {  	_ =	shalt  }
0x49: {  	_ =	shalt  }
0x4a: {  	_ =	shalt  }
0x4b: {  	_ =	shalt  }
0x4c: {  	_ =	shalt  }
0x4d: {  	_ =	shalt  }
0x4e: {  	_ =	shalt  }
0x4f: {  	_ =	shalt  }
0x50: {  	_ =	shalt  }
0x51: {  	_ =	shalt  }
0x52: {  	_ =	shalt  }
0x53: {  	_ =	shalt  }
0x54: {  	_ =	shalt  }
0x55: {  	_ =	shalt  }
0x56: {  	_ =	shalt  }
0x57: {  	_ =	shalt  }
0x58: {  	_ =	shalt  }
0x59: {  	_ =	shalt  }
0x5a: {  	_ =	shalt  }
0x5b: {  	_ =	shalt  }
0x5c: {  	_ =	shalt  }
0x5d: {  	_ =	shalt  }
0x5e: {  	_ =	shalt  }
0x5f: {  	_ =	shalt  }
0x60: {  	_ =	shalt  }
0x61: {  	_ =	shalt  }
0x62: {  	_ =	shalt  }
0x63: {  	_ =	shalt  }
0x64: {  	_ =	shalt  }
0x65: {  	_ =	shalt  }
0x66: {  	_ =	shalt  }
0x67: {  	_ =	shalt  }
0x68: {  	_ =	shalt  }
0x69: {  	_ =	shalt  }
0x6a: {  	_ =	shalt  }
0x6b: {  	_ =	shalt  }
0x6c: {  	_ =	shalt  }
0x6d: {  	_ =	shalt  }
0x6e: {  	_ =	shalt  }
0x6f: {  	_ =	shalt  }
0x70: {  	_ =	shalt  }
0x71: {  	_ =	shalt  }
0x72: {  	_ =	shalt  }
0x73: {  	_ =	shalt  }
0x74: {  	_ =	shalt  }
0x75: {  	_ =	shalt  }
0x76: {  	_ =	shalt  }
0x77: {  	_ =	shalt  }
0x78: {  	_ =	shalt  }
0x79: {  	_ =	shalt  }
0x7a: {  	_ =	shalt  }
0x7b: {  	_ =	shalt  }
0x7c: {  	_ =	shalt  }
0x7d: {  	_ =	shalt  }
0x7e: {  	_ =	shalt  }
0x7f: {  	_ =	shalt  }
0x80: {  	_ =	shalt  }
0x81: {  	_ =	shalt  }
0x82: {  	_ =	shalt  }
0x83: {  	_ =	shalt  }
0x84: {  	_ =	shalt  }
0x85: {  	_ =	shalt  }
0x86: {  	_ =	shalt  }
0x87: {  	_ =	shalt  }
.Lfunc_end0:
.L_simem_size_0:
called_computation.4_lowered:
.L_overlay_start_0:
0x88: {  	s2 =	sld [smem:$0x3FD9]  }
0x89: {  	s3 =	sld [smem:$0x3FFE];
	_ =	sdelay $0x1  }
0x8a: {  	s1 =	srdreg.scid  }
0x8b: {  	s0 =	sand.u32 $0x1, s1  }
0x8c: {  	s16 =	sshll.u32 s0, $0xA;
	s2 =	sadd.s32 s3, s2  }
0x8d: {  	s2 =	sadd.s32 s2, s16  }
0x8e: {  	[smem:$0x3FAF] =	sst s2  }
0x8f: {  	_ = 	snop  }
0x90: {  	(tm) =	ssettm $0x1  }
0x91: {  	s17 =	sld [smem:$0x3FFB];
	_ =	sdelay $0x3  }
0x92: {  	_ =	strace s17  }
0x93: {  	s2 =	sld [smem:$0x3FFC];
	_ =	sdelay $0x3  }
0x94: {  	_ =	strace s2  }
0x95: {  	s2 =	sld [smem:$0x3FFD];
	_ =	sdelay $0x3  }
0x96: {  	_ =	strace s2  }
0x97: {  	_ =	strace $0x8FFFFFFF  }
0x98: {  	s18 =	sld [smem:$0x3FDB];
	_ =	sdelay $0x1  }
0x99: {  	s19 =	simm.s32 $_scs_section_size  }
0x9a: {  	s4 =	simm.s32 $_size__tile_overlayer_lowered;
	s5 =	simm.s32 $_tile_overlayer_lowered  }
0x9b: {  	s22 =	simm.s32 $0x1BFF;
	s21 =	sshll.u32 s5, $0x1;
	s2 =	sadd.s32 s19, s18  }
0x9c: {  	s6 =	simm.s32 $0x0;
	s20 =	sshll.u32 s4, $0x1;
	s4 =	sadd.s32 s21, s2  }
0x9d: {  	[timem:s6], [sflag:s22] =	dma.local [hbm:s4], s20  }
0x9e: {  	_ =	swait.ge [sflag:s22], s20  }
0x9f: {  	s3 =	ssub.s32 $0x0, s20;
	[sflag:s22] =	ssyncset.done $0x0  }
0xa0: {  	[sflag:s22] =	ssyncadd.s32 s3;
	_ =	sdelay $0x1  }
0xa1: {  	s23 =	simm.s32 $0x1B8B  }
0xa2: {  	_ =	swait.ge [sflag:s23], $0x1  }
0xa3: {  	[sflag:s23] =	ssyncset.done $0x0  }
0xa4: {  	s25 =	simm.s32 $0x1B8E;
	s24 =	sld [smem:$0x3FFE];
	[sflag:s23] =	ssyncadd.s32 $0xFFFFFFFF  }
0xa5: {  	s26 =	simm.s32 $execute0_lowered;
	[smem:$0x3FD2] =	sst s25  }
0xa6: {  	s4 =	sshll.u32 s26, $0x1;
	_ =	strace $0x80000052;
	[dreg:$0x1] =	wrdreg $0xFFFFFFFF  }
0xa7: {  	s28 =	simm.s32 $_size_execute0_lowered;
	s2 =	sadd.s32 s2, s4;
	[dreg:$0x0] =	wrdreg $0x0  }
0xa8: {  	s4 =	sshll.u32 s28, $0x1;
	[dreg:$0x2] =	wrdreg s2  }
0xa9: {  	[dreg:$0x3] =	wrdreg s4  }
0xaa: {  	[dreg:$0x4] =	wrdreg $0xC0  }
0xab: {  	_ =	task [dreg:s6], $0x5FFFF  }
0xac: {  	[dreg:$0x1] =	wrdreg $0xFFFFFFFF  }
0xad: {  	[dreg:$0x0] =	wrdreg $0x60  }
0xae: {  	[dreg:$0x2] =	wrdreg s24  }
0xaf: {  	[dreg:$0x3] =	wrdreg $0x29000  }
0xb0: {  	[dreg:$0x4] =	wrdreg $0x9  }
0xb1: {  	_ =	task.clear_ibuf [dreg:s6], $0x5FFFF;
	_ =	strace $0x90000052  }
0xb2: {  	s29 =	simm.s32 $0x9;
	_ =	strace $0x80000054  }
0xb3: {  	_ =	swait.ge [sflag:s29], $0x1  }
0xb4: {  	[sflag:s29] =	ssyncadd.s32 $0xFFFFFFFF  }
0xb5: {  	_ =	strace $0x90000054  }
0xb6: {  	_ =	sfence  }
0xb7: {  	s30 =	sld [smem:$0x0];
	_ =	sdelay $0x2  }
0xb8: {  	s31 =	sshll.u32 s1, $0xD;
	s1 =	sshrl.u32 s1, $0x2  }
0xb9: {  	s3 =	sand.u32 $0x4000, s31;
	s1 =	sadd.s32 s1, s30  }
0xba: {  	s0 =	sor.u32 s3, s0;
	s1 =	sshll.u32 s1, $0x11  }
0xbb: {  	s0 =	sor.u32 s1, s0  }
0xbc: {  	s0 =	sadd.s32 $0x8F2B, s0  }
0xbd: {  	[sflag:s0] =	ssyncadd.remote.s32 $0x1  }
0xbe: {  	_ =	sfence.sel $0xFFFF  }
0xbf: {  	[dreg:$0x0] =	wrdreg $0xFFFFFFFF;
	(pc) =	sbr.abs _section_cstart, $3  }
0xc0: {  	[dreg:$0x1] =	wrdreg $0xFFFFFFFF  }
0xc1: {  	_ =	task.clear_ibuf [dreg:s6], $0x2FFFF;
	_ =	strace $0x9FFFFFFF  }
0xc2: {  	(tm) =	ssettm $0x7FFFFFFF  }
0xc3: {  	_ =	shalt  }
tec
execute0_lowered:
.L_overlay_start_1:
0x0: {  	(tag) =	ssettag $0x1  }
0x1: {  	s7 =	rddreg [dreg:$0x0]  }
0x2: {  	s2 =	rddreg [dreg:$0x1]  }
0x3: {  	s0 =	srdreg.scid;
	s1 =	rddreg [dreg:$0x2]  }
0x4: {  	s3 =	simm.s32 $0x0;
	s16 =	simm.s32 $0x50;
	s5 =	sand.u32 $0x1, s0  }
0x5: {  	s17 =	simm.s32 $0x80;
	s0 =	stileid.u32;
	s8 =	smul.u32 $0x27100, s5  }
0x6: {  	s18 =	simm.s32 $0x1;
	s19 =	simm.s32 $0x2880;
	s4 =	smul.u32 $0x2710, s0  }
0x7: {  	s20 =	simm.s32 $0x0;
	[smem:$0x7FF] =	sst s3;
	s28 =	smul.u32 $0x4E000, s0  }
0x8: {  	s9 =	sadd.s32 $0x40800, s7;
	s15 =	sadd.s32 $0x138000, s2;
	s11 =	smul.u32 $0x2700, s0  }
0x9: {  	_ =	strace $0x80000053;
	s10 =	ssub.s32 $0x2, s5;
	s14 =	smul.u32 $0x138800, s5  }
0xa: {  	s30 =	sshll.u32 s0, $0x6;
	p0 =	sne.s32 s0, $0xF;
	s13 =	sshrl.u32 s10, $0x1  }
0xb: {  	s15 =	sshrl.u32 @!p0 s15, $0x3;
	s4 =	sadd.s32 s4, s8;
	s10 =	ssub.s32 s10, s13  }
0xc: {  	s14 =	sshrl.u32 s14, $0x3;
	s8 =	sadd.s32 s11, s8;
	s6 =	sshrl.u32 s4, $0x3  }
0xd: {  	s4 =	sadd.s32 $0x19600, s7;
	s31 =	sadd.s32 s9, s14;
	s8 =	sadd.s32 s9, s8  }
0xe: {  	s10 =	smax.u32 s10, $0x1;
	s14 =	simm.s32 $0x2;
	s12 =	sadd.s32 s6, s7  }
0xf: {  	s6 =	sshrl.u32 s28, $0x2;
	s5 =	sadd.s32 s4, s11;
	s7 =	sadd.s32 $0x40600, s7  }
0x10: {  	s9 =	sadd.s32 $0x27000, s31;
	s29 =	sadd.s32 s6, s2;
	s6 =	sor.u32 $0x1C02, s30  }
0x11: {  	s11 =	sadd.s32 $0x5A00, s12;
	s12 =	sadd.s32 $0xF800, s12;
	s13 =	sshrl.u32 s29, $0x3  }
.LBB2_1:
0x12: {  	[spmem:s13], [sflag:s6] =	dma.local [hbm:s5], $0x2700  }
0x13: {  	_ =	swait.ge [sflag:s14], $0x2700  }
0x14: {  	[sflag:s14] =	ssyncset.done $0x0  }
0x15: {  	s21 =	simm.s32 @!p0 $0x2;
	[sflag:s14] =	ssyncadd.s32 $0xFFFFD900  }
0x16: {  	[spmem:s15], [sflag:s6] =	dma.local @!p0 [hbm:s7], $0x100  }
0x17: {  	_ =	swait.ge @!p0 [sflag:s21], $0x100  }
0x18: {  	[sflag:s21] =	ssyncset.done @!p0 $0x0  }
0x19: {  	[sflag:s21] =	ssyncadd.s32 @!p0 $0xFFFFFF00  }
0x1a: {  	s30 =	sadd.s32 $0x0, s12;
	[bflag:$0x0] =	sbarrier.arrive $0xFFFF  }
0x1b: {  	[tilespmem:s3], [sflag:$0x2] =	stream.linear.gather [hbm4b:s30+s3], $0x50, $0x38;
	[tilespmem:$0x16180] =	vst v63  }
0x1c: {  	_ =	swait.ge [sflag:s14], $0x50  }
0x1d: {  	[sflag:s14] =	ssyncset.done $0x0  }
0x1e: {  	[sflag:s14] =	ssyncadd.s32 $0xFFFFFFB0  }
0x1f: {  	[tilespmem:s17], [sflag:$0x1] =	stream.indirect.gather [hbm4b:s4+s16], $0x80, s3, s16, $0xb8;
	[tilespmem:$0x16180] =	vst v63  }
0x20: {  	_ =	swait.ge [sflag:s18], $0x2800  }
0x21: {  	[sflag:s18] =	ssyncset.done $0x0  }
0x22: {  	s31 =	sadd.s32 $0x0, s11;
	[sflag:s18] =	ssyncadd.s32 $0xFFFFD800  }
0x23: {  	[tilespmem:s19], [sflag:$0x2] =	stream.linear.gather [hbm4b:s31+s3], $0x50, $0x38;
	[tilespmem:$0x16180] =	vst v63  }
0x24: {  	_ =	swait.ge [sflag:s14], $0x50  }
0x25: {  	[sflag:s14] =	ssyncset.done $0x0  }
0x26: {  	[sflag:s14] =	ssyncadd.s32 $0xFFFFFFB0  }
0x27: {  	[spmem:s2] =	stream.indirect.scatter.add.f32 [tilespmem:s17], [sflag:$0x2], $0x80, s19, s16, $0xb8;
	[tilespmem:$0x16180] =	vst v63  }
0x28: {  	_ =	swait.ge [sflag:s14], $0x2800  }
0x29: {  	s22 =	simm.s32 $0x14;
	s21 =	simm.s32 $0xA;
	[sflag:s14] =	ssyncset.done $0x0  }
.LBB2_2:
0x2a: {  	s23 =	sadd.s32 s21, s12  }
0x2b: {  	[sflag:s14] =	ssyncadd.s32 $0xFFFFD800;
	s24 =	smov.u32 s22;
	s25 =	sadd.s32 $0xA, s22  }
0x2c: {  	[tilespmem:s3], [sflag:$0x2] =	stream.linear.gather [hbm4b:s23+s3], $0x50, $0x38;
	[tilespmem:$0x16180] =	vst v63  }
0x2d: {  	p1 =	sne.s32 s22, $0x4D8;
	_ =	swait.ge [sflag:s14], $0x50  }
0x2e: {  	[sflag:s14] =	ssyncset.done $0x0  }
0x2f: {  	[sflag:s14] =	ssyncadd.s32 $0xFFFFFFB0  }
0x30: {  	[tilespmem:s17], [sflag:$0x1] =	stream.indirect.gather [hbm4b:s4+s16], $0x80, s3, s16, $0xb8;
	[tilespmem:$0x16180] =	vst v63  }
0x31: {  	_ =	swait.ge [sflag:s18], $0x2800  }
0x32: {  	[sflag:s18] =	ssyncset.done $0x0  }
0x33: {  	s22 =	sadd.s32 s21, s11;
	s21 =	smov.u32 s24;
	[sflag:s18] =	ssyncadd.s32 $0xFFFFD800  }
0x34: {  	[tilespmem:s19], [sflag:$0x2] =	stream.linear.gather [hbm4b:s22+s3], $0x50, $0x38;
	[tilespmem:$0x16180] =	vst v63  }
0x35: {  	_ =	swait.ge [sflag:s14], $0x50  }
.Ltmp0:
0x36: {  	[sflag:s14] =	ssyncset.done $0x0;
	(pc) =	sbr.rel @p1 .LBB2_2-.Ltmp0, $4  }
0x37: {  	[sflag:s14] =	ssyncadd.s32 $0xFFFFFFB0  }
0x38: {  	[spmem:s2] =	stream.indirect.scatter.add.f32 [tilespmem:s17], [sflag:$0x2], $0x80, s19, s16, $0xb8;
	[tilespmem:$0x16180] =	vst v63  }
0x39: {  	_ =	swait.ge [sflag:s14], $0x2800  }
0x3a: {  	s22 =	smov.u32 s25;
	[sflag:s14] =	ssyncset.done $0x0  }
0x3b: {  	s22 =	sadd.s32 s21, s12;
	[sflag:s14] =	ssyncadd.s32 $0xFFFFD800  }
0x3c: {  	[tilespmem:s3], [sflag:$0x2] =	stream.linear.gather [hbm4b:s22+s3], $0x50, $0x38;
	[tilespmem:$0x16180] =	vst v63  }
0x3d: {  	_ =	swait.ge [sflag:s14], $0x50  }
0x3e: {  	[sflag:s14] =	ssyncset.done $0x0  }
0x3f: {  	[sflag:s14] =	ssyncadd.s32 $0xFFFFFFB0  }
0x40: {  	[tilespmem:s17], [sflag:$0x1] =	stream.indirect.gather [hbm4b:s4+s16], $0x80, s3, s16, $0xb8;
	[tilespmem:$0x16180] =	vst v63  }
0x41: {  	_ =	swait.ge [sflag:s18], $0x2800  }
0x42: {  	[sflag:s18] =	ssyncset.done $0x0  }
0x43: {  	s31 =	sadd.s32 s21, s11;
	[sflag:s18] =	ssyncadd.s32 $0xFFFFD800  }
0x44: {  	[tilespmem:s19], [sflag:$0x2] =	stream.linear.gather [hbm4b:s31+s3], $0x50, $0x38;
	[tilespmem:$0x16180] =	vst v63  }
0x45: {  	_ =	swait.ge [sflag:s14], $0x50  }
0x46: {  	[sflag:s14] =	ssyncset.done $0x0  }
0x47: {  	[sflag:s14] =	ssyncadd.s32 $0xFFFFFFB0  }
0x48: {  	[spmem:s2] =	stream.indirect.scatter.add.f32 [tilespmem:s17], [sflag:$0x2], $0x80, s19, s16, $0xb8;
	[tilespmem:$0x16180] =	vst v63  }
0x49: {  	_ =	swait.ge [sflag:s14], $0x2800  }
0x4a: {  	[sflag:s14] =	ssyncset.done $0x0  }
0x4b: {  	[sflag:s14] =	ssyncadd.s32 $0xFFFFD800  }
0x4c: {  	[bflag:$0x0] =	sbarrier.arrive $0xFFFF  }
0x4d: {  	[hbm:s8], [sflag:s6] =	dma.local [spmem:s13], $0x2700  }
0x4e: {  	s20 =	sadd.s32 $0x1, s20;
	_ =	swait.ge [sflag:s14], $0x2700  }
0x4f: {  	p1 =	sne.s32 s20, s10;
	[sflag:s14] =	ssyncset.done $0x0  }
.Ltmp1:
0x50: {  	s21 =	simm.s32 @!p0 $0x2;
	[sflag:s14] =	ssyncadd.s32 $0xFFFFD900;
	(pc) =	sbr.rel @p1 .LBB2_1-.Ltmp1, $4  }
0x51: {  	[hbm:s9], [sflag:s6] =	dma.local @!p0 [spmem:s15], $0x100  }
0x52: {  	_ =	swait.ge @!p0 [sflag:s21], $0x100  }
0x53: {  	[sflag:s21] =	ssyncset.done @!p0 $0x0  }
0x54: {  	[sflag:s21] =	ssyncadd.s32 @!p0 $0xFFFFFF00  }
0x55: {  	_ =	sfence.sel $0x180000  }
0x56: {  	[bflag:$0x0] =	sbarrier.arrive $0xFFFF  }
0x57: {  	p0 =	sne.s32 s0, $0x0;
	_ =	strace $0x90000053  }
0x58: {  	s0 =	sadd.s32 @!p0 $0x100000, s1;
	[bflag:$0x2] =	sbarrier.arrive $0xFFFF  }
0x59: {  	[sflag:s0] =	ssyncadd.tile.s32 @!p0 $0x1;
	_ =	shalt  }
.Lfunc_end2:
_tile_overlayer_lowered:
.L_overlay_start_2:
0x5a: {  	(tag) =	ssettag $0x2  }
0x5b: {  	s0 =	rddreg [dreg:$0x0];
	s2 =	stileid.u32  }
0x5c: {  	s1 =	rddreg [dreg:$0x1];
	p0 =	sne.s32 s2, $0x0  }
0x5d: {  	s3 =	rddreg [dreg:$0x2];
	[bflag:$0x3] =	sbarrier.arrive $0xFFFF;
	s2 =	simm.s32 @!p0 $0x1C02  }
0x5e: {  	[timem:s3], [sflag:s2] =	dma.local @!p0 [hbm:s0], s1  }
0x5f: {  	s0 =	simm.s32 @!p0 $0x2  }
0x60: {  	_ =	swait.ge @!p0 [sflag:s0], s1  }
0x61: {  	s1 =	ssub.s32 @!p0 $0x0, s1;
	[sflag:s0] =	ssyncset.done @!p0 $0x0  }
0x62: {  	[sflag:s0] =	ssyncadd.s32 @!p0 s1  }
0x63: {  	[bflag:$0x3] =	sbarrier.arrive $0xFFFF  }
0x64: {  	_ =	shalt  }

// kernel: gin_edge_agg_sc.7.cloned.1.call-start
scs
__scs_entry_jumppad:
0x0: {  	(pc) =	sbr.rel $0x88, $3  }
0x1: {  	(tag) =	ssettag $0x0;
	lr =	simm.s32 $0x1  }
0x2: {  	[smem:$0x3F88] =	sst lr;
	_ =	strace $0xD0000000  }
0x3: {  	_ = 	snop  }
0x4: {  	_ = 	snop  }
0x5: {  	_ = 	snop  }
0x6: {  	_ = 	snop  }
0x7: {  	_ = 	snop  }
__scs_overlays_trampoline_lowered:
0x8: {  	[smem:$0x3F97] =	sst s0  }
0x9: {  	[smem:$0x3F98] =	sst s1  }
0xa: {  	[smem:$0x3F99] =	sst s2  }
0xb: {  	[smem:$0x3F9A] =	sst s3  }
0xc: {  	[smem:$0x3F9B] =	sst s4  }
0xd: {  	[smem:$0x3F9C] =	sst s5  }
0xe: {  	[smem:$0x3F9D] =	sst s6  }
0xf: {  	[smem:$0x3F9E] =	sst s7  }
0x10: {  	[smem:$0x3F9F] =	sst s8  }
0x11: {  	[smem:$0x3FA0] =	sst s9;
	s0 =	simm.s32 @!p0 $0x0  }
0x12: {  	s1 =	sld [smem:$0x3F86];
	s0 =	simm.s32 @p0 $0x1  }
0x13: {  	[smem:$0x3FA1] =	sst s0;
	s0 =	simm.s32 @!p1 $0x0  }
0x14: {  	s2 =	sld [smem:$0x3F85];
	s0 =	simm.s32 @p1 $0x1  }
0x15: {  	[smem:$0x3FA2] =	sst s0;
	s0 =	simm.s32 @!p2 $0x0  }
0x16: {  	s3 =	sld [smem:$0x3FDB];
	s0 =	simm.s32 @p2 $0x1  }
0x17: {  	s4 =	simm.s32 $0x1BF5;
	[smem:$0x3FA4] =	sst s0  }
0x18: {  	s0 =	sld [smem:$0x3F87];
	_ =	swait.ge [sflag:s4], $0x0  }
0x19: {  	s7 =	sld [smem:$0x3F88]  }
0x1a: {  	s8 =	sadd.s32 $0xFFFFE003, lr  }
0x1b: {  	s9 =	sadd.s32 $0xFFFFFEF7, lr;
	s5 =	simm.s32 $0xFFFFFFFF;
	p2 =	slt.u32 s8, $0xFFFFF086  }
0x1c: {  	p1 =	slt.u32 s9, $0xF7A;
	s5 =	simm.s32 @!p2 $0x0  }
0x1d: {  	s5 =	simm.s32 @p1 $0x1;
	p0 =	seq.s32 s7, s2  }
0x1e: {  	s7 =	smul.u32 @!p0 $0xF7A, s2;
	p2 =	seq.s32 @!p0 s5, $0x0  }
0x1f: {  	s9 =	smul.u32 $0xF7A, s1;
	s8 =	simm.s32 @!p0 $0x1BF5;
	p2 =	por !p2, p0  }
0x20: {  	[sflag:s8] =	ssyncset.s32 @!p0 $0xFFFFF086;
	s6 =	sadd.s32 @!p0 s3, s7;
	s7 =	simm.s32 @!p0 $0x108  }
0x21: {  	s3 =	sadd.s32 s3, s9;
	s6 =	sadd.s32 @!p0 $0x88, s6;
	s7 =	simm.s32 @p2 $0x1082  }
0x22: {  	[simem:s7], [sflag:s8] =	dma.local @!p0 [hbm:s6], $0xF7A  }
0x23: {  	s9 =	sor.u32 $0xD0000000, s2;
	s6 =	simm.s32 $0x108;
	_ =	swait.ge @!p0 [sflag:s8], $0x0  }
0x24: {  	s3 =	sadd.s32 $0x88, s3;
	s6 =	simm.s32 @!p1 $0x1082;
	[sflag:s4] =	ssyncset.s32 $0xFFFFF086  }
0x25: {  	[simem:s6], [sflag:s4] =	dma.local [hbm:s3], $0xF7A  }
0x26: {  	[smem:$0x3F88] =	sst s1;
	(tag) =	ssettag s2;
	_ =	strace s9  }
0x27: {  	s1 =	sld [smem:$0x3F98]  }
0x28: {  	s2 =	sld [smem:$0x3F99]  }
0x29: {  	s4 =	sld [smem:$0x3F9B]  }
0x2a: {  	p0 =	seq.s32 s5, $0x0;
	s5 =	sld [smem:$0x3F9C]  }
0x2b: {  	s6 =	sld [smem:$0x3F9D]  }
0x2c: {  	s7 =	sld [smem:$0x3F9E]  }
0x2d: {  	s3 =	simm.s32 $0x108;
	s8 =	sld [smem:$0x3F9F]  }
0x2e: {  	s3 =	simm.s32 @!p0 $0x1082;
	s9 =	sld [smem:$0x3FA0]  }
0x2f: {  	lr =	sadd.s32 s0, s3;
	s0 =	sld [smem:$0x3F97]  }
0x30: {  	s3 =	sld [smem:$0x3F9A]  }
0x31: {  	[smem:$0x3FA3] =	sst s10  }
0x32: {  	s10 =	sld [smem:$0x3FA1];
	_ =	sdelay $0x3  }
0x33: {  	p0 =	seq.s32 s10, $0x1;
	s10 =	sld [smem:$0x3FA3];
	_ =	sdelay $0x3  }
0x34: {  	[smem:$0x3FA3] =	sst s10  }
0x35: {  	s10 =	sld [smem:$0x3FA2];
	_ =	sdelay $0x3  }
0x36: {  	p1 =	seq.s32 s10, $0x1;
	s10 =	sld [smem:$0x3FA3];
	_ =	sdelay $0x3  }
0x37: {  	[smem:$0x3FA3] =	sst s10  }
0x38: {  	s10 =	sld [smem:$0x3FA4]  }
0x39: {  	_ = 	snop;
	(pc) =	sbr.ind lr, $3  }
0x3a: {  	_ = 	snop  }
0x3b: {  	_ = 	snop  }
0x3c: {  	p2 =	seq.s32 s10, $0x1;
	s10 =	sld [smem:$0x3FA3]  }
0x3d: {  	_ =	shalt  }
0x3e: {  	_ =	shalt  }
0x3f: {  	_ =	shalt  }
0x40: {  	_ =	shalt  }
0x41: {  	_ =	shalt  }
0x42: {  	_ =	shalt  }
0x43: {  	_ =	shalt  }
0x44: {  	_ =	shalt  }
0x45: {  	_ =	shalt  }
0x46: {  	_ =	shalt  }
0x47: {  	_ =	shalt  }
0x48: {  	_ =	shalt  }
0x49: {  	_ =	shalt  }
0x4a: {  	_ =	shalt  }
0x4b: {  	_ =	shalt  }
0x4c: {  	_ =	shalt  }
0x4d: {  	_ =	shalt  }
0x4e: {  	_ =	shalt  }
0x4f: {  	_ =	shalt  }
0x50: {  	_ =	shalt  }
0x51: {  	_ =	shalt  }
0x52: {  	_ =	shalt  }
0x53: {  	_ =	shalt  }
0x54: {  	_ =	shalt  }
0x55: {  	_ =	shalt  }
0x56: {  	_ =	shalt  }
0x57: {  	_ =	shalt  }
0x58: {  	_ =	shalt  }
0x59: {  	_ =	shalt  }
0x5a: {  	_ =	shalt  }
0x5b: {  	_ =	shalt  }
0x5c: {  	_ =	shalt  }
0x5d: {  	_ =	shalt  }
0x5e: {  	_ =	shalt  }
0x5f: {  	_ =	shalt  }
0x60: {  	_ =	shalt  }
0x61: {  	_ =	shalt  }
0x62: {  	_ =	shalt  }
0x63: {  	_ =	shalt  }
0x64: {  	_ =	shalt  }
0x65: {  	_ =	shalt  }
0x66: {  	_ =	shalt  }
0x67: {  	_ =	shalt  }
0x68: {  	_ =	shalt  }
0x69: {  	_ =	shalt  }
0x6a: {  	_ =	shalt  }
0x6b: {  	_ =	shalt  }
0x6c: {  	_ =	shalt  }
0x6d: {  	_ =	shalt  }
0x6e: {  	_ =	shalt  }
0x6f: {  	_ =	shalt  }
0x70: {  	_ =	shalt  }
0x71: {  	_ =	shalt  }
0x72: {  	_ =	shalt  }
0x73: {  	_ =	shalt  }
0x74: {  	_ =	shalt  }
0x75: {  	_ =	shalt  }
0x76: {  	_ =	shalt  }
0x77: {  	_ =	shalt  }
0x78: {  	_ =	shalt  }
0x79: {  	_ =	shalt  }
0x7a: {  	_ =	shalt  }
0x7b: {  	_ =	shalt  }
0x7c: {  	_ =	shalt  }
0x7d: {  	_ =	shalt  }
0x7e: {  	_ =	shalt  }
0x7f: {  	_ =	shalt  }
0x80: {  	_ =	shalt  }
0x81: {  	_ =	shalt  }
0x82: {  	_ =	shalt  }
0x83: {  	_ =	shalt  }
0x84: {  	_ =	shalt  }
0x85: {  	_ =	shalt  }
0x86: {  	_ =	shalt  }
0x87: {  	_ =	shalt  }
.Lfunc_end0:
.L_simem_size_0:
called_computation_lowered:
.L_overlay_start_0:
0x88: {  	s2 =	sld [smem:$0x3FD9]  }
0x89: {  	s3 =	sld [smem:$0x3FFE];
	_ =	sdelay $0x1  }
0x8a: {  	s1 =	srdreg.scid  }
0x8b: {  	s0 =	sand.u32 $0x1, s1  }
0x8c: {  	s17 =	sshll.u32 s0, $0xA;
	s2 =	sadd.s32 s3, s2  }
0x8d: {  	s2 =	sadd.s32 s2, s17  }
0x8e: {  	[smem:$0x3FAF] =	sst s2  }
0x8f: {  	_ = 	snop  }
0x90: {  	s2 =	sld [smem:$0x3FC9];
	(tm) =	ssettm $0x1  }
0x91: {  	s18 =	sld [smem:$0x3FFB];
	_ =	sdelay $0x3  }
0x92: {  	_ =	strace s18  }
0x93: {  	s3 =	sld [smem:$0x3FFC];
	_ =	sdelay $0x3  }
0x94: {  	_ =	strace s3  }
0x95: {  	s3 =	sld [smem:$0x3FFD];
	_ =	sdelay $0x3  }
0x96: {  	_ =	strace s3  }
0x97: {  	_ =	strace $0x8FFFFFFF  }
0x98: {  	s19 =	sld [smem:$0x3FDB];
	_ =	sdelay $0x1  }
0x99: {  	s4 =	simm.s32 $_scs_section_size  }
0x9a: {  	s5 =	simm.s32 $_size__tile_overlayer_lowered;
	s6 =	simm.s32 $_tile_overlayer_lowered  }
0x9b: {  	s22 =	simm.s32 $0x1BFF;
	s21 =	sshll.u32 s6, $0x1;
	s3 =	sadd.s32 s4, s19  }
0x9c: {  	s7 =	simm.s32 $0x0;
	s20 =	sshll.u32 s5, $0x1;
	s5 =	sadd.s32 s21, s3  }
0x9d: {  	[timem:s7], [sflag:s22] =	dma.local [hbm:s5], s20  }
0x9e: {  	_ =	swait.ge [sflag:s22], s20  }
0x9f: {  	s4 =	ssub.s32 $0x0, s20;
	[sflag:s22] =	ssyncset.done $0x0  }
0xa0: {  	[sflag:s22] =	ssyncadd.s32 s4;
	_ =	sdelay $0x1  }
0xa1: {  	s23 =	simm.s32 $0x1B8B  }
0xa2: {  	_ =	swait.ge [sflag:s23], $0x1  }
0xa3: {  	[sflag:s23] =	ssyncset.done $0x0  }
0xa4: {  	s25 =	simm.s32 $0x1B8E;
	s24 =	sld [smem:$0x3FFE];
	[sflag:s23] =	ssyncadd.s32 $0xFFFFFFFF  }
0xa5: {  	s26 =	simm.s32 $execute0_lowered;
	[smem:$0x3FD2] =	sst s25  }
0xa6: {  	s5 =	sshll.u32 s26, $0x1;
	_ =	strace $0x80000046;
	[dreg:$0x1] =	wrdreg $0xFFFFFFFF  }
0xa7: {  	s28 =	simm.s32 $_size_execute0_lowered;
	s3 =	sadd.s32 s3, s5;
	[dreg:$0x0] =	wrdreg $0x0  }
0xa8: {  	s5 =	sshll.u32 s28, $0x1;
	[dreg:$0x2] =	wrdreg s3  }
0xa9: {  	[dreg:$0x3] =	wrdreg s5  }
0xaa: {  	[dreg:$0x4] =	wrdreg $0xC0  }
0xab: {  	_ =	task [dreg:s7], $0x5FFFF  }
0xac: {  	[dreg:$0x1] =	wrdreg $0xFFFFFFFF  }
0xad: {  	[dreg:$0x0] =	wrdreg $0x60  }
0xae: {  	[dreg:$0x2] =	wrdreg s2  }
0xaf: {  	[dreg:$0x3] =	wrdreg s24  }
0xb0: {  	[dreg:$0x4] =	wrdreg $0x29000  }
0xb1: {  	[dreg:$0x5] =	wrdreg $0x9  }
0xb2: {  	_ =	task.clear_ibuf [dreg:s7], $0x6FFFF;
	_ =	strace $0x90000046  }
0xb3: {  	s29 =	simm.s32 $0x9;
	_ =	strace $0x80000048  }
0xb4: {  	_ =	swait.ge [sflag:s29], $0x1  }
0xb5: {  	[sflag:s29] =	ssyncadd.s32 $0xFFFFFFFF  }
0xb6: {  	_ =	strace $0x90000048  }
0xb7: {  	_ =	sfence  }
0xb8: {  	s30 =	sld [smem:$0x0];
	_ =	sdelay $0x2  }
0xb9: {  	s31 =	sshll.u32 s1, $0xD;
	s1 =	sshrl.u32 s1, $0x2  }
0xba: {  	s3 =	sand.u32 $0x4000, s31;
	s1 =	sadd.s32 s1, s30  }
0xbb: {  	s0 =	sor.u32 s3, s0;
	s1 =	sshll.u32 s1, $0x11  }
0xbc: {  	s0 =	sor.u32 s1, s0  }
0xbd: {  	s0 =	sadd.s32 $0x8F2B, s0  }
0xbe: {  	[sflag:s0] =	ssyncadd.remote.s32 $0x1  }
0xbf: {  	_ =	sfence.sel $0xFFFF  }
0xc0: {  	[dreg:$0x0] =	wrdreg $0xFFFFFFFF;
	(pc) =	sbr.abs _section_cstart, $3  }
0xc1: {  	[dreg:$0x1] =	wrdreg $0xFFFFFFFF  }
0xc2: {  	_ =	task.clear_ibuf [dreg:s7], $0x2FFFF;
	_ =	strace $0x9FFFFFFF  }
0xc3: {  	(tm) =	ssettm $0x7FFFFFFF  }
tec
execute0_lowered:
.L_overlay_start_1:
0x0: {  	(tag) =	ssettag $0x1  }
0x1: {  	s1 =	rddreg [dreg:$0x0]  }
0x2: {  	s6 =	rddreg [dreg:$0x1]  }
0x3: {  	s0 =	srdreg.scid;
	s3 =	rddreg [dreg:$0x2]  }
0x4: {  	s2 =	rddreg [dreg:$0x3];
	s4 =	simm.s32 $0x0;
	s16 =	simm.s32 $0x50  }
0x5: {  	s17 =	simm.s32 $0x80;
	s18 =	simm.s32 $0x1;
	s5 =	sand.u32 $0x1, s0  }
0x6: {  	s19 =	simm.s32 $0x2880;
	s0 =	stileid.u32;
	s7 =	smul.u32 $0x27100, s5  }
0x7: {  	s20 =	simm.s32 $0x0;
	[smem:$0x7FF] =	sst s4;
	s8 =	smul.u32 $0x2710, s0  }
0x8: {  	s9 =	sadd.s32 $0x19600, s6;
	s15 =	sadd.s32 $0x138000, s3;
	s28 =	smul.u32 $0x4E000, s0  }
0x9: {  	_ =	strace $0x80000047;
	s29 =	ssub.s32 $0x2, s5;
	s10 =	smul.u32 $0x2700, s0  }
0xa: {  	s13 =	smul.u32 $0x138800, s5;
	s30 =	sshll.u32 s0, $0x6;
	p0 =	sne.s32 s0, $0xF  }
0xb: {  	s11 =	sshrl.u32 s29, $0x1;
	s15 =	sshrl.u32 @!p0 s15, $0x3;
	s8 =	sadd.s32 s8, s7  }
0xc: {  	s11 =	ssub.s32 s29, s11;
	s5 =	sadd.s32 s1, s10;
	s31 =	sshrl.u32 s13, $0x3  }
0xd: {  	s10 =	sadd.s32 s10, s7;
	s7 =	sadd.s32 $0x27000, s1;
	s8 =	sshrl.u32 s8, $0x3  }
0xe: {  	s13 =	sadd.s32 s9, s31;
	s12 =	sadd.s32 s8, s6;
	s8 =	sshrl.u32 s28, $0x2  }
0xf: {  	s6 =	sor.u32 $0x1C02, s30;
	s14 =	sadd.s32 s8, s3;
	s8 =	sadd.s32 s9, s10  }
0x10: {  	s9 =	sadd.s32 $0x27000, s13;
	s10 =	smax.u32 s11, $0x1;
	s11 =	sadd.s32 $0x5A00, s12  }
0x11: {  	s12 =	sadd.s32 $0xF800, s12;
	s13 =	sshrl.u32 s14, $0x3;
	s14 =	simm.s32 $0x2  }
.LBB2_1:
0x12: {  	[spmem:s13], [sflag:s6] =	dma.local [hbm:s5], $0x2700  }
0x13: {  	_ =	swait.ge [sflag:s14], $0x2700  }
0x14: {  	[sflag:s14] =	ssyncset.done $0x0  }
0x15: {  	s21 =	simm.s32 @!p0 $0x2;
	[sflag:s14] =	ssyncadd.s32 $0xFFFFD900  }
0x16: {  	[spmem:s15], [sflag:s6] =	dma.local @!p0 [hbm:s7], $0x100  }
0x17: {  	_ =	swait.ge @!p0 [sflag:s21], $0x100  }
0x18: {  	[sflag:s21] =	ssyncset.done @!p0 $0x0  }
0x19: {  	[sflag:s21] =	ssyncadd.s32 @!p0 $0xFFFFFF00  }
0x1a: {  	s30 =	sadd.s32 $0x0, s12;
	[bflag:$0x0] =	sbarrier.arrive $0xFFFF  }
0x1b: {  	[tilespmem:s4], [sflag:$0x2] =	stream.linear.gather [hbm4b:s30+s4], $0x50, $0x38;
	[tilespmem:$0x16180] =	vst v63  }
0x1c: {  	_ =	swait.ge [sflag:s14], $0x50  }
0x1d: {  	[sflag:s14] =	ssyncset.done $0x0  }
0x1e: {  	[sflag:s14] =	ssyncadd.s32 $0xFFFFFFB0  }
0x1f: {  	[tilespmem:s17], [sflag:$0x1] =	stream.indirect.gather [hbm4b:s1+s16], $0x80, s4, s16, $0xb8;
	[tilespmem:$0x16180] =	vst v63  }
0x20: {  	_ =	swait.ge [sflag:s18], $0x2800  }
0x21: {  	[sflag:s18] =	ssyncset.done $0x0  }
0x22: {  	s31 =	sadd.s32 $0x0, s11;
	[sflag:s18] =	ssyncadd.s32 $0xFFFFD800  }
0x23: {  	[tilespmem:s19], [sflag:$0x2] =	stream.linear.gather [hbm4b:s31+s4], $0x50, $0x38;
	[tilespmem:$0x16180] =	vst v63  }
0x24: {  	_ =	swait.ge [sflag:s14], $0x50  }
0x25: {  	[sflag:s14] =	ssyncset.done $0x0  }
0x26: {  	[sflag:s14] =	ssyncadd.s32 $0xFFFFFFB0  }
0x27: {  	[spmem:s3] =	stream.indirect.scatter.add.f32 [tilespmem:s17], [sflag:$0x2], $0x80, s19, s16, $0xb8;
	[tilespmem:$0x16180] =	vst v63  }
0x28: {  	_ =	swait.ge [sflag:s14], $0x2800  }
0x29: {  	s22 =	simm.s32 $0x14;
	s21 =	simm.s32 $0xA;
	[sflag:s14] =	ssyncset.done $0x0  }
.LBB2_2:
0x2a: {  	s23 =	sadd.s32 s21, s12  }
0x2b: {  	[sflag:s14] =	ssyncadd.s32 $0xFFFFD800;
	s24 =	smov.u32 s22;
	s25 =	sadd.s32 $0xA, s22  }
0x2c: {  	[tilespmem:s4], [sflag:$0x2] =	stream.linear.gather [hbm4b:s23+s4], $0x50, $0x38;
	[tilespmem:$0x16180] =	vst v63  }
0x2d: {  	p1 =	sne.s32 s22, $0x4D8;
	_ =	swait.ge [sflag:s14], $0x50  }
0x2e: {  	[sflag:s14] =	ssyncset.done $0x0  }
0x2f: {  	[sflag:s14] =	ssyncadd.s32 $0xFFFFFFB0  }
0x30: {  	[tilespmem:s17], [sflag:$0x1] =	stream.indirect.gather [hbm4b:s1+s16], $0x80, s4, s16, $0xb8;
	[tilespmem:$0x16180] =	vst v63  }
0x31: {  	_ =	swait.ge [sflag:s18], $0x2800  }
0x32: {  	[sflag:s18] =	ssyncset.done $0x0  }
0x33: {  	s22 =	sadd.s32 s21, s11;
	s21 =	smov.u32 s24;
	[sflag:s18] =	ssyncadd.s32 $0xFFFFD800  }
0x34: {  	[tilespmem:s19], [sflag:$0x2] =	stream.linear.gather [hbm4b:s22+s4], $0x50, $0x38;
	[tilespmem:$0x16180] =	vst v63  }
0x35: {  	_ =	swait.ge [sflag:s14], $0x50  }
.Ltmp0:
0x36: {  	[sflag:s14] =	ssyncset.done $0x0;
	(pc) =	sbr.rel @p1 .LBB2_2-.Ltmp0, $4  }
0x37: {  	[sflag:s14] =	ssyncadd.s32 $0xFFFFFFB0  }
0x38: {  	[spmem:s3] =	stream.indirect.scatter.add.f32 [tilespmem:s17], [sflag:$0x2], $0x80, s19, s16, $0xb8;
	[tilespmem:$0x16180] =	vst v63  }
0x39: {  	_ =	swait.ge [sflag:s14], $0x2800  }
0x3a: {  	s22 =	smov.u32 s25;
	[sflag:s14] =	ssyncset.done $0x0  }
0x3b: {  	s22 =	sadd.s32 s21, s12;
	[sflag:s14] =	ssyncadd.s32 $0xFFFFD800  }
0x3c: {  	[tilespmem:s4], [sflag:$0x2] =	stream.linear.gather [hbm4b:s22+s4], $0x50, $0x38;
	[tilespmem:$0x16180] =	vst v63  }
0x3d: {  	_ =	swait.ge [sflag:s14], $0x50  }
0x3e: {  	[sflag:s14] =	ssyncset.done $0x0  }
0x3f: {  	[sflag:s14] =	ssyncadd.s32 $0xFFFFFFB0  }
0x40: {  	[tilespmem:s17], [sflag:$0x1] =	stream.indirect.gather [hbm4b:s1+s16], $0x80, s4, s16, $0xb8;
	[tilespmem:$0x16180] =	vst v63  }
0x41: {  	_ =	swait.ge [sflag:s18], $0x2800  }
0x42: {  	[sflag:s18] =	ssyncset.done $0x0  }
0x43: {  	s31 =	sadd.s32 s21, s11;
	[sflag:s18] =	ssyncadd.s32 $0xFFFFD800  }
0x44: {  	[tilespmem:s19], [sflag:$0x2] =	stream.linear.gather [hbm4b:s31+s4], $0x50, $0x38;
	[tilespmem:$0x16180] =	vst v63  }
0x45: {  	_ =	swait.ge [sflag:s14], $0x50  }
0x46: {  	[sflag:s14] =	ssyncset.done $0x0  }
0x47: {  	[sflag:s14] =	ssyncadd.s32 $0xFFFFFFB0  }
0x48: {  	[spmem:s3] =	stream.indirect.scatter.add.f32 [tilespmem:s17], [sflag:$0x2], $0x80, s19, s16, $0xb8;
	[tilespmem:$0x16180] =	vst v63  }
0x49: {  	_ =	swait.ge [sflag:s14], $0x2800  }
0x4a: {  	[sflag:s14] =	ssyncset.done $0x0  }
0x4b: {  	[sflag:s14] =	ssyncadd.s32 $0xFFFFD800  }
0x4c: {  	[bflag:$0x0] =	sbarrier.arrive $0xFFFF  }
0x4d: {  	[hbm:s8], [sflag:s6] =	dma.local [spmem:s13], $0x2700  }
0x4e: {  	s20 =	sadd.s32 $0x1, s20;
	_ =	swait.ge [sflag:s14], $0x2700  }
0x4f: {  	p1 =	sne.s32 s20, s10;
	[sflag:s14] =	ssyncset.done $0x0  }
.Ltmp1:
0x50: {  	s21 =	simm.s32 @!p0 $0x2;
	[sflag:s14] =	ssyncadd.s32 $0xFFFFD900;
	(pc) =	sbr.rel @p1 .LBB2_1-.Ltmp1, $4  }
0x51: {  	[hbm:s9], [sflag:s6] =	dma.local @!p0 [spmem:s15], $0x100  }
0x52: {  	_ =	swait.ge @!p0 [sflag:s21], $0x100  }
0x53: {  	[sflag:s21] =	ssyncset.done @!p0 $0x0  }
0x54: {  	[sflag:s21] =	ssyncadd.s32 @!p0 $0xFFFFFF00  }
0x55: {  	_ =	sfence.sel $0x180000  }
0x56: {  	[bflag:$0x0] =	sbarrier.arrive $0xFFFF  }
0x57: {  	p0 =	sne.s32 s0, $0x0;
	_ =	strace $0x90000047  }
0x58: {  	s0 =	sadd.s32 @!p0 $0x100000, s2;
	[bflag:$0x2] =	sbarrier.arrive $0xFFFF  }
0x59: {  	[sflag:s0] =	ssyncadd.tile.s32 @!p0 $0x1;
	_ =	shalt  }
.Lfunc_end2:
_tile_overlayer_lowered:
.L_overlay_start_2:
0x5a: {  	(tag) =	ssettag $0x2  }
0x5b: {  	s0 =	rddreg [dreg:$0x0];
	s2 =	stileid.u32  }
0x5c: {  	s1 =	rddreg [dreg:$0x1];
	p0 =	sne.s32 s2, $0x0  }
0x5d: {  	s3 =	rddreg [dreg:$0x2];
	[bflag:$0x3] =	sbarrier.arrive $0xFFFF;
	s2 =	simm.s32 @!p0 $0x1C02  }
0x5e: {  	[timem:s3], [sflag:s2] =	dma.local @!p0 [hbm:s0], s1  }
0x5f: {  	s0 =	simm.s32 @!p0 $0x2  }
0x60: {  	_ =	swait.ge @!p0 [sflag:s0], s1  }
0x61: {  	s1 =	ssub.s32 @!p0 $0x0, s1;
	[sflag:s0] =	ssyncset.done @!p0 $0x0  }
0x62: {  	[sflag:s0] =	ssyncadd.s32 @!p0 s1  }
0x63: {  	[bflag:$0x3] =	sbarrier.arrive $0xFFFF  }
0x64: {  	_ =	shalt  }

</sc_bundles>
